<compile_context>
chip_gen: v7x
topology: tpu7x:2x2x1
jax: 0.10.2.dev20260603
libtpu: 0.0.44.dev20260713+nightly
codegen_flags: <defaults>
</compile_context>

<pallas_src>
import functools

import jax
import jax.numpy as jnp
from jax import lax
from jax.experimental import pallas as pl
from jax.experimental.pallas import tpu as pltpu
from jax.experimental.pallas import tpu_sc as plsc


def _table_body(ee_ref, ec_ref, cwt_ref, out_ref):
    out_ref[...] = ee_ref[...] + jnp.dot(
        ec_ref[...], cwt_ref[...], preferred_element_type=jnp.float32
    )


def _compute_table(element_embedding, electron_config, config_weight):
    Zmax, F = element_embedding.shape
    return pl.pallas_call(
        _table_body,
        out_shape=jax.ShapeDtypeStruct((Zmax, F), jnp.float32),
    )(element_embedding, electron_config, config_weight.T)


_NBUF = 7


@functools.lru_cache(maxsize=None)
def _make_gather(n_rows, n_chunks_w, ch, F, Zmax, NC, NS):
    mesh = plsc.VectorSubcoreMesh(core_axis_name="c", subcore_axis_name="s")
    nbuf = _NBUF

    @functools.partial(
        pl.kernel,
        mesh=mesh,
        out_type=jax.ShapeDtypeStruct((n_rows, F), jnp.float32),
        scratch_types=[
            pltpu.VMEM((n_chunks_w, ch), jnp.int32),
            pltpu.VMEM_SHARED((Zmax, F), jnp.float32),
            pltpu.VMEM((nbuf, ch, F), jnp.float32),
        ]
        + [pltpu.SemaphoreType.DMA] * (2 * nbuf),
    )
    def gather(table_hbm, idx_hbm, out_hbm, idx_v, table_v, rows_v, *sems):
        gsem, wsem = sems[:nbuf], sems[nbuf:]
        wid = lax.axis_index("s") * NC + lax.axis_index("c")
        row0 = wid * n_chunks_w
        @pl.when(lax.axis_index("s") == 0)
        def _():
            pltpu.sync_copy(table_hbm, table_v)

        pltpu.sync_copy(idx_hbm.at[pl.ds(row0, n_chunks_w)], idx_v)
        plsc.subcore_barrier()

        n_rounds = n_chunks_w // nbuf
        tail = n_chunks_w % nbuf

        for b in range(nbuf):
            pltpu.async_copy(table_v.at[idx_v.at[b]], rows_v.at[b], gsem[b])

        def body(r, carry):
            for b in range(nbuf):
                j = r * nbuf + b
                pltpu.make_async_copy(
                    table_v.at[idx_v.at[j]], rows_v.at[b], gsem[b]
                ).wait()
                pltpu.async_copy(
                    rows_v.at[b], out_hbm.at[pl.ds((row0 + j) * ch, ch)], wsem[b]
                )
            for b in range(nbuf):
                j = r * nbuf + b
                pltpu.make_async_copy(
                    rows_v.at[b], out_hbm.at[pl.ds((row0 + j) * ch, ch)], wsem[b]
                ).wait()

                @pl.when(j + nbuf < n_chunks_w)
                def _():
                    jn = j + nbuf
                    pltpu.async_copy(
                        table_v.at[idx_v.at[jn]], rows_v.at[b], gsem[b]
                    )

            return carry

        lax.fori_loop(0, n_rounds, body, 0)

        for b in range(tail):
            j = n_rounds * nbuf + b
            pltpu.make_async_copy(
                table_v.at[idx_v.at[j]], rows_v.at[b], gsem[b]
            ).wait()
            pltpu.async_copy(
                rows_v.at[b], out_hbm.at[pl.ds((row0 + j) * ch, ch)], wsem[b]
            )
        for b in range(tail):
            j = n_rounds * nbuf + b
            pltpu.make_async_copy(
                rows_v.at[b], out_hbm.at[pl.ds((row0 + j) * ch, ch)], wsem[b]
            ).wait()

    return gather


def kernel(Z, element_embedding, config_weight, electron_config):
    B, N = Z.shape
    Zmax, F = element_embedding.shape
    table = _compute_table(element_embedding, electron_config, config_weight)

    info = plsc.get_sparse_core_info()
    NC, NS = info.num_cores, info.num_subcores
    NW = NC * NS

    ch = N
    n_chunks = B
    n_chunks_w = n_chunks // NW

    idx = Z.astype(jnp.int32)
    out = _make_gather(B * N, n_chunks_w, ch, F, Zmax, NC, NS)(table, idx)
    return out.reshape(B, N, F)

# --- scband reference (transcript-rebuilt; emitter-appended) ---
"""Pipeline reference for scband-embedding-79886391705993 (READ-ONLY COPY).

The authoritative reference and input builder live on the scoring server;
editing this copy changes nothing except your own understanding.
"""

import jax, jax.numpy as jnp
import numpy as np


def setup_inputs(seed: int = 0) -> dict:
    key = jax.random.key(seed)
    k1, k2, k3, k4 = jax.random.split(key, 4)
    B, N, F, Zmax, C = 1024, 128, 128, 87, 20
    Z = jax.random.randint(k1, (B, N), 0, Zmax, dtype=jnp.int64) if jax.config.jax_enable_x64 else jax.random.randint(k1, (B, N), 0, Zmax, dtype=jnp.int32)
    element_embedding = jax.random.uniform(k2, (Zmax, F), minval=-np.sqrt(3), maxval=np.sqrt(3), dtype=jnp.float32)
    config_weight = jax.random.normal(k3, (F, C), dtype=jnp.float32) * 0.1
    electron_config = jax.random.uniform(k4, (Zmax, C), dtype=jnp.float32)
    return {"Z": Z, "element_embedding": element_embedding, "config_weight": config_weight, "electron_config": electron_config}


def reference(Z, element_embedding, config_weight, electron_config):
    # emb row z = element_embedding[z] + Linear(no bias)(electron_config)[z]
    F = element_embedding.shape[-1]
    emb = element_embedding + electron_config @ config_weight.T  # [Zmax, F]
    # Z: [B, N] -> index tensor [B, N, F] (unsqueeze + repeat in torch)
    idx = jnp.broadcast_to(Z[..., None], Z.shape + (F,))
    # embedding repeated over batch: [B, Zmax, F]
    emb_b = jnp.broadcast_to(emb[None, :, :], (Z.shape[0],) + emb.shape)
    # torch.gather(embedding, -2, Z)
    out = jnp.take_along_axis(emb_b, idx, axis=-2)  # [B, N, F]
    return out

if __name__ == "__main__":
    import jax
    _d = setup_inputs()
    print(jax.jit(kernel)(*tuple(_d.values())))

</pallas_src>

<mosaic_0001>
#map = affine_map<(d0, d1) -> (0, 0)>
module attributes {stable_mosaic.version = 14 : i64} {
  func.func @gather(%arg0: i32, %arg1: i32, %arg2: memref<87x128xf32, #tpu.memory_space<hbm>>, %arg3: memref<1024x128xi32, #tpu.memory_space<hbm>>, %arg4: memref<131072x128xf32, #tpu.memory_space<hbm>>, %arg5: memref<32x128xi32, #tpu.memory_space<vmem>>, %arg6: memref<87x128xf32, #tpu.memory_space<vmem_shared>>, %arg7: memref<7x128x128xf32, #tpu.memory_space<vmem>>, %arg8: memref<!tpu.dma_semaphore, #tpu.memory_space<semaphore_mem>>, %arg9: memref<!tpu.dma_semaphore, #tpu.memory_space<semaphore_mem>>, %arg10: memref<!tpu.dma_semaphore, #tpu.memory_space<semaphore_mem>>, %arg11: memref<!tpu.dma_semaphore, #tpu.memory_space<semaphore_mem>>, %arg12: memref<!tpu.dma_semaphore, #tpu.memory_space<semaphore_mem>>, %arg13: memref<!tpu.dma_semaphore, #tpu.memory_space<semaphore_mem>>, %arg14: memref<!tpu.dma_semaphore, #tpu.memory_space<semaphore_mem>>, %arg15: memref<!tpu.dma_semaphore, #tpu.memory_space<semaphore_mem>>, %arg16: memref<!tpu.dma_semaphore, #tpu.memory_space<semaphore_mem>>, %arg17: memref<!tpu.dma_semaphore, #tpu.memory_space<semaphore_mem>>, %arg18: memref<!tpu.dma_semaphore, #tpu.memory_space<semaphore_mem>>, %arg19: memref<!tpu.dma_semaphore, #tpu.memory_space<semaphore_mem>>, %arg20: memref<!tpu.dma_semaphore, #tpu.memory_space<semaphore_mem>>, %arg21: memref<!tpu.dma_semaphore, #tpu.memory_space<semaphore_mem>>) attributes {dimension_semantics = [#tpu.dimension_semantics<core_parallel>, #tpu.dimension_semantics<subcore_parallel>], iteration_bounds = array<i64: 2, 16>, scalar_prefetch = 0 : i64, scratch_operands = 17 : i64, tpu.core_type = #tpu.core_type<sc_vector_subcore>, window_params = [{transform_indices = #map}, {transform_indices = #map}, {transform_indices = #map}]} {
    %mul3A = arith.constant 2 : i32
    %mul3A_0 = arith.muli %arg1, %mul3A : i32
    %add3A = arith.addi %mul3A_0, %arg0 : i32
    %mul3A_1 = arith.constant 32 : i32
    %mul3A_2 = arith.muli %add3A, %mul3A_1 : i32
    %eq3A = arith.constant 0 : i32
    %eq3A_3 = arith.cmpi eq, %arg1, %eq3A : i32
    %convert_element_type3A = arith.extui %eq3A_3 : i1 to i32
    %cond3A = arith.constant 0 : i32
    %cond3A_4 = arith.cmpi ne, %convert_element_type3A, %cond3A : i32
    scf.if %cond3A_4 {
      "tpu.region"() ({
        %run_scoped3A = tpu.sem_alloc : memref<!tpu.dma_semaphore, #tpu.memory_space<semaphore_mem>>
        tpu.enqueue_dma source(%arg2 : memref<87x128xf32, #tpu.memory_space<hbm>>) target(%arg6 : memref<87x128xf32, #tpu.memory_space<vmem_shared>>) target_semaphore(%run_scoped3A : memref<!tpu.dma_semaphore, #tpu.memory_space<semaphore_mem>>)
        tpu.wait_dma2 semaphore(%run_scoped3A : memref<!tpu.dma_semaphore, #tpu.memory_space<semaphore_mem>>) src(%arg2 : memref<87x128xf32, #tpu.memory_space<hbm>>) dst(%arg6 : memref<87x128xf32, #tpu.memory_space<vmem_shared>>)
        tpu.yield
      }) : () -> ()
    } else {
    }
    "tpu.region"() ({
      %run_scoped3A = tpu.sem_alloc : memref<!tpu.dma_semaphore, #tpu.memory_space<semaphore_mem>>
      %dma_start3A_276 = arith.constant 0 : i32
      %dma_start3A_277 = tpu.memref_slice %arg3[%mul3A_2, %dma_start3A_276] : memref<1024x128xi32, #tpu.memory_space<hbm>> -> memref<32x128xi32, #tpu.memory_space<hbm>>
      %dma_start3A_278 = arith.constant 0 : i32
      %dma_start3A_279 = tpu.memref_slice %arg3[%mul3A_2, %dma_start3A_278] : memref<1024x128xi32, #tpu.memory_space<hbm>> -> memref<32x128xi32, #tpu.memory_space<hbm>>
      tpu.enqueue_dma source(%dma_start3A_279 : memref<32x128xi32, #tpu.memory_space<hbm>>) target(%arg5 : memref<32x128xi32, #tpu.memory_space<vmem>>) target_semaphore(%run_scoped3A : memref<!tpu.dma_semaphore, #tpu.memory_space<semaphore_mem>>)
      %dma_wait3A_280 = arith.constant 0 : i32
      %dma_wait3A_281 = tpu.memref_slice %arg3[%mul3A_2, %dma_wait3A_280] : memref<1024x128xi32, #tpu.memory_space<hbm>> -> memref<32x128xi32, #tpu.memory_space<hbm>>
      %dma_wait3A_282 = arith.constant 0 : i32
      %dma_wait3A_283 = tpu.memref_slice %arg3[%mul3A_2, %dma_wait3A_282] : memref<1024x128xi32, #tpu.memory_space<hbm>> -> memref<32x128xi32, #tpu.memory_space<hbm>>
      tpu.wait_dma2 semaphore(%run_scoped3A : memref<!tpu.dma_semaphore, #tpu.memory_space<semaphore_mem>>) src(%dma_wait3A_283 : memref<32x128xi32, #tpu.memory_space<hbm>>) dst(%arg5 : memref<32x128xi32, #tpu.memory_space<vmem>>)
      tpu.yield
    }) : () -> ()
    %barrier3A = arith.constant 0 : index
    tpu.barrier barrier_id(%barrier3A)
    %dma_start3A = arith.constant 0 : i32
    %dma_start3A_5 = arith.constant 0 : i32
    %dma_start3A_6 = arith.constant 0 : i32
    %dma_start3A_7 = arith.constant 0 : i32
    %dma_start3A_8 = tpu.memref_slice %arg7[%dma_start3A_5, %dma_start3A_6, %dma_start3A_7] : memref<7x128x128xf32, #tpu.memory_space<vmem>> -> memref<1x128x128xf32, #tpu.memory_space<vmem>>
    %dma_start3A_9 = tpu.memref_squeeze %dma_start3A_8 : memref<1x128x128xf32, #tpu.memory_space<vmem>> -> memref<128x128xf32, #tpu.memory_space<vmem>>
    %dma_start3A_10 = arith.constant 0 : i32
    %dma_start3A_11 = tpu.memref_slice %arg5[%dma_start3A, %dma_start3A_10] : memref<32x128xi32, #tpu.memory_space<vmem>> -> memref<1x128xi32, #tpu.memory_space<vmem>>
    %dma_start3A_12 = tpu.memref_squeeze %dma_start3A_11 : memref<1x128xi32, #tpu.memory_space<vmem>> -> memref<128xi32, #tpu.memory_space<vmem>>
    %dma_start3A_13 = arith.constant 0 : i32
    %dma_start3A_14 = arith.constant 0 : i32
    %dma_start3A_15 = tpu.memref_slice %arg6[%dma_start3A_13, %dma_start3A_14] : memref<87x128xf32, #tpu.memory_space<vmem_shared>> -> memref<87x128xf32, #tpu.memory_space<vmem_shared>>
    tpu.enqueue_indirect_dma source(%dma_start3A_15 : memref<87x128xf32, #tpu.memory_space<vmem_shared>>) target(%dma_start3A_9 : memref<128x128xf32, #tpu.memory_space<vmem>>) offsets(%dma_start3A_12 : memref<128xi32, #tpu.memory_space<vmem>>) semaphore(%arg8 : memref<!tpu.dma_semaphore, #tpu.memory_space<semaphore_mem>>)
    %dma_start3A_16 = arith.constant 1 : i32
    %dma_start3A_17 = arith.constant 1 : i32
    %dma_start3A_18 = arith.constant 0 : i32
    %dma_start3A_19 = arith.constant 0 : i32
    %dma_start3A_20 = tpu.memref_slice %arg7[%dma_start3A_17, %dma_start3A_18, %dma_start3A_19] : memref<7x128x128xf32, #tpu.memory_space<vmem>> -> memref<1x128x128xf32, #tpu.memory_space<vmem>>
    %dma_start3A_21 = tpu.memref_squeeze %dma_start3A_20 : memref<1x128x128xf32, #tpu.memory_space<vmem>> -> memref<128x128xf32, #tpu.memory_space<vmem>>
    %dma_start3A_22 = arith.constant 0 : i32
    %dma_start3A_23 = tpu.memref_slice %arg5[%dma_start3A_16, %dma_start3A_22] : memref<32x128xi32, #tpu.memory_space<vmem>> -> memref<1x128xi32, #tpu.memory_space<vmem>>
    %dma_start3A_24 = tpu.memref_squeeze %dma_start3A_23 : memref<1x128xi32, #tpu.memory_space<vmem>> -> memref<128xi32, #tpu.memory_space<vmem>>
    %dma_start3A_25 = arith.constant 0 : i32
    %dma_start3A_26 = arith.constant 0 : i32
    %dma_start3A_27 = tpu.memref_slice %arg6[%dma_start3A_25, %dma_start3A_26] : memref<87x128xf32, #tpu.memory_space<vmem_shared>> -> memref<87x128xf32, #tpu.memory_space<vmem_shared>>
    tpu.enqueue_indirect_dma source(%dma_start3A_27 : memref<87x128xf32, #tpu.memory_space<vmem_shared>>) target(%dma_start3A_21 : memref<128x128xf32, #tpu.memory_space<vmem>>) offsets(%dma_start3A_24 : memref<128xi32, #tpu.memory_space<vmem>>) semaphore(%arg9 : memref<!tpu.dma_semaphore, #tpu.memory_space<semaphore_mem>>)
    %dma_start3A_28 = arith.constant 2 : i32
    %dma_start3A_29 = arith.constant 2 : i32
    %dma_start3A_30 = arith.constant 0 : i32
    %dma_start3A_31 = arith.constant 0 : i32
    %dma_start3A_32 = tpu.memref_slice %arg7[%dma_start3A_29, %dma_start3A_30, %dma_start3A_31] : memref<7x128x128xf32, #tpu.memory_space<vmem>> -> memref<1x128x128xf32, #tpu.memory_space<vmem>>
    %dma_start3A_33 = tpu.memref_squeeze %dma_start3A_32 : memref<1x128x128xf32, #tpu.memory_space<vmem>> -> memref<128x128xf32, #tpu.memory_space<vmem>>
    %dma_start3A_34 = arith.constant 0 : i32
    %dma_start3A_35 = tpu.memref_slice %arg5[%dma_start3A_28, %dma_start3A_34] : memref<32x128xi32, #tpu.memory_space<vmem>> -> memref<1x128xi32, #tpu.memory_space<vmem>>
    %dma_start3A_36 = tpu.memref_squeeze %dma_start3A_35 : memref<1x128xi32, #tpu.memory_space<vmem>> -> memref<128xi32, #tpu.memory_space<vmem>>
    %dma_start3A_37 = arith.constant 0 : i32
    %dma_start3A_38 = arith.constant 0 : i32
    %dma_start3A_39 = tpu.memref_slice %arg6[%dma_start3A_37, %dma_start3A_38] : memref<87x128xf32, #tpu.memory_space<vmem_shared>> -> memref<87x128xf32, #tpu.memory_space<vmem_shared>>
    tpu.enqueue_indirect_dma source(%dma_start3A_39 : memref<87x128xf32, #tpu.memory_space<vmem_shared>>) target(%dma_start3A_33 : memref<128x128xf32, #tpu.memory_space<vmem>>) offsets(%dma_start3A_36 : memref<128xi32, #tpu.memory_space<vmem>>) semaphore(%arg10 : memref<!tpu.dma_semaphore, #tpu.memory_space<semaphore_mem>>)
    %dma_start3A_40 = arith.constant 3 : i32
    %dma_start3A_41 = arith.constant 3 : i32
    %dma_start3A_42 = arith.constant 0 : i32
    %dma_start3A_43 = arith.constant 0 : i32
    %dma_start3A_44 = tpu.memref_slice %arg7[%dma_start3A_41, %dma_start3A_42, %dma_start3A_43] : memref<7x128x128xf32, #tpu.memory_space<vmem>> -> memref<1x128x128xf32, #tpu.memory_space<vmem>>
    %dma_start3A_45 = tpu.memref_squeeze %dma_start3A_44 : memref<1x128x128xf32, #tpu.memory_space<vmem>> -> memref<128x128xf32, #tpu.memory_space<vmem>>
    %dma_start3A_46 = arith.constant 0 : i32
    %dma_start3A_47 = tpu.memref_slice %arg5[%dma_start3A_40, %dma_start3A_46] : memref<32x128xi32, #tpu.memory_space<vmem>> -> memref<1x128xi32, #tpu.memory_space<vmem>>
    %dma_start3A_48 = tpu.memref_squeeze %dma_start3A_47 : memref<1x128xi32, #tpu.memory_space<vmem>> -> memref<128xi32, #tpu.memory_space<vmem>>
    %dma_start3A_49 = arith.constant 0 : i32
    %dma_start3A_50 = arith.constant 0 : i32
    %dma_start3A_51 = tpu.memref_slice %arg6[%dma_start3A_49, %dma_start3A_50] : memref<87x128xf32, #tpu.memory_space<vmem_shared>> -> memref<87x128xf32, #tpu.memory_space<vmem_shared>>
    tpu.enqueue_indirect_dma source(%dma_start3A_51 : memref<87x128xf32, #tpu.memory_space<vmem_shared>>) target(%dma_start3A_45 : memref<128x128xf32, #tpu.memory_space<vmem>>) offsets(%dma_start3A_48 : memref<128xi32, #tpu.memory_space<vmem>>) semaphore(%arg11 : memref<!tpu.dma_semaphore, #tpu.memory_space<semaphore_mem>>)
    %dma_start3A_52 = arith.constant 4 : i32
    %dma_start3A_53 = arith.constant 4 : i32
    %dma_start3A_54 = arith.constant 0 : i32
    %dma_start3A_55 = arith.constant 0 : i32
    %dma_start3A_56 = tpu.memref_slice %arg7[%dma_start3A_53, %dma_start3A_54, %dma_start3A_55] : memref<7x128x128xf32, #tpu.memory_space<vmem>> -> memref<1x128x128xf32, #tpu.memory_space<vmem>>
    %dma_start3A_57 = tpu.memref_squeeze %dma_start3A_56 : memref<1x128x128xf32, #tpu.memory_space<vmem>> -> memref<128x128xf32, #tpu.memory_space<vmem>>
    %dma_start3A_58 = arith.constant 0 : i32
    %dma_start3A_59 = tpu.memref_slice %arg5[%dma_start3A_52, %dma_start3A_58] : memref<32x128xi32, #tpu.memory_space<vmem>> -> memref<1x128xi32, #tpu.memory_space<vmem>>
    %dma_start3A_60 = tpu.memref_squeeze %dma_start3A_59 : memref<1x128xi32, #tpu.memory_space<vmem>> -> memref<128xi32, #tpu.memory_space<vmem>>
    %dma_start3A_61 = arith.constant 0 : i32
    %dma_start3A_62 = arith.constant 0 : i32
    %dma_start3A_63 = tpu.memref_slice %arg6[%dma_start3A_61, %dma_start3A_62] : memref<87x128xf32, #tpu.memory_space<vmem_shared>> -> memref<87x128xf32, #tpu.memory_space<vmem_shared>>
    tpu.enqueue_indirect_dma source(%dma_start3A_63 : memref<87x128xf32, #tpu.memory_space<vmem_shared>>) target(%dma_start3A_57 : memref<128x128xf32, #tpu.memory_space<vmem>>) offsets(%dma_start3A_60 : memref<128xi32, #tpu.memory_space<vmem>>) semaphore(%arg12 : memref<!tpu.dma_semaphore, #tpu.memory_space<semaphore_mem>>)
    %dma_start3A_64 = arith.constant 5 : i32
    %dma_start3A_65 = arith.constant 5 : i32
    %dma_start3A_66 = arith.constant 0 : i32
    %dma_start3A_67 = arith.constant 0 : i32
    %dma_start3A_68 = tpu.memref_slice %arg7[%dma_start3A_65, %dma_start3A_66, %dma_start3A_67] : memref<7x128x128xf32, #tpu.memory_space<vmem>> -> memref<1x128x128xf32, #tpu.memory_space<vmem>>
    %dma_start3A_69 = tpu.memref_squeeze %dma_start3A_68 : memref<1x128x128xf32, #tpu.memory_space<vmem>> -> memref<128x128xf32, #tpu.memory_space<vmem>>
    %dma_start3A_70 = arith.constant 0 : i32
    %dma_start3A_71 = tpu.memref_slice %arg5[%dma_start3A_64, %dma_start3A_70] : memref<32x128xi32, #tpu.memory_space<vmem>> -> memref<1x128xi32, #tpu.memory_space<vmem>>
    %dma_start3A_72 = tpu.memref_squeeze %dma_start3A_71 : memref<1x128xi32, #tpu.memory_space<vmem>> -> memref<128xi32, #tpu.memory_space<vmem>>
    %dma_start3A_73 = arith.constant 0 : i32
    %dma_start3A_74 = arith.constant 0 : i32
    %dma_start3A_75 = tpu.memref_slice %arg6[%dma_start3A_73, %dma_start3A_74] : memref<87x128xf32, #tpu.memory_space<vmem_shared>> -> memref<87x128xf32, #tpu.memory_space<vmem_shared>>
    tpu.enqueue_indirect_dma source(%dma_start3A_75 : memref<87x128xf32, #tpu.memory_space<vmem_shared>>) target(%dma_start3A_69 : memref<128x128xf32, #tpu.memory_space<vmem>>) offsets(%dma_start3A_72 : memref<128xi32, #tpu.memory_space<vmem>>) semaphore(%arg13 : memref<!tpu.dma_semaphore, #tpu.memory_space<semaphore_mem>>)
    %dma_start3A_76 = arith.constant 6 : i32
    %dma_start3A_77 = arith.constant 6 : i32
    %dma_start3A_78 = arith.constant 0 : i32
    %dma_start3A_79 = arith.constant 0 : i32
    %dma_start3A_80 = tpu.memref_slice %arg7[%dma_start3A_77, %dma_start3A_78, %dma_start3A_79] : memref<7x128x128xf32, #tpu.memory_space<vmem>> -> memref<1x128x128xf32, #tpu.memory_space<vmem>>
    %dma_start3A_81 = tpu.memref_squeeze %dma_start3A_80 : memref<1x128x128xf32, #tpu.memory_space<vmem>> -> memref<128x128xf32, #tpu.memory_space<vmem>>
    %dma_start3A_82 = arith.constant 0 : i32
    %dma_start3A_83 = tpu.memref_slice %arg5[%dma_start3A_76, %dma_start3A_82] : memref<32x128xi32, #tpu.memory_space<vmem>> -> memref<1x128xi32, #tpu.memory_space<vmem>>
    %dma_start3A_84 = tpu.memref_squeeze %dma_start3A_83 : memref<1x128xi32, #tpu.memory_space<vmem>> -> memref<128xi32, #tpu.memory_space<vmem>>
    %dma_start3A_85 = arith.constant 0 : i32
    %dma_start3A_86 = arith.constant 0 : i32
    %dma_start3A_87 = tpu.memref_slice %arg6[%dma_start3A_85, %dma_start3A_86] : memref<87x128xf32, #tpu.memory_space<vmem_shared>> -> memref<87x128xf32, #tpu.memory_space<vmem_shared>>
    tpu.enqueue_indirect_dma source(%dma_start3A_87 : memref<87x128xf32, #tpu.memory_space<vmem_shared>>) target(%dma_start3A_81 : memref<128x128xf32, #tpu.memory_space<vmem>>) offsets(%dma_start3A_84 : memref<128xi32, #tpu.memory_space<vmem>>) semaphore(%arg14 : memref<!tpu.dma_semaphore, #tpu.memory_space<semaphore_mem>>)
    %scan3A = arith.constant 0 : i32
    %scan3A_88 = arith.constant 0 : i32
    %scan3A_89 = arith.constant 4 : i32
    %scan3A_90 = arith.addi %scan3A_88, %scan3A_89 : i32
    %scan3A_91 = arith.constant 1 : i32
    scf.for %scan3A_276 = %scan3A_88 to %scan3A_90 step %scan3A_91  : i32 {
      %mul3A_277 = arith.constant 7 : i32
      %mul3A_278 = arith.muli %scan3A_276, %mul3A_277 : i32
      %add3A_279 = arith.constant 0 : i32
      %add3A_280 = arith.addi %mul3A_278, %add3A_279 : i32
      %dma_wait3A_281 = arith.constant 0 : i32
      %dma_wait3A_282 = arith.constant 0 : i32
      %dma_wait3A_283 = arith.constant 0 : i32
      %dma_wait3A_284 = tpu.memref_slice %arg7[%dma_wait3A_281, %dma_wait3A_282, %dma_wait3A_283] : memref<7x128x128xf32, #tpu.memory_space<vmem>> -> memref<1x128x128xf32, #tpu.memory_space<vmem>>
      %dma_wait3A_285 = tpu.memref_squeeze %dma_wait3A_284 : memref<1x128x128xf32, #tpu.memory_space<vmem>> -> memref<128x128xf32, #tpu.memory_space<vmem>>
      %dma_wait3A_286 = arith.constant 0 : i32
      %dma_wait3A_287 = tpu.memref_slice %arg5[%add3A_280, %dma_wait3A_286] : memref<32x128xi32, #tpu.memory_space<vmem>> -> memref<1x128xi32, #tpu.memory_space<vmem>>
      %dma_wait3A_288 = tpu.memref_squeeze %dma_wait3A_287 : memref<1x128xi32, #tpu.memory_space<vmem>> -> memref<128xi32, #tpu.memory_space<vmem>>
      %dma_wait3A_289 = arith.constant 0 : i32
      %dma_wait3A_290 = arith.constant 0 : i32
      %dma_wait3A_291 = tpu.memref_slice %arg6[%dma_wait3A_289, %dma_wait3A_290] : memref<87x128xf32, #tpu.memory_space<vmem_shared>> -> memref<87x128xf32, #tpu.memory_space<vmem_shared>>
      tpu.wait_indirect_dma semaphore(%arg8 : memref<!tpu.dma_semaphore, #tpu.memory_space<semaphore_mem>>) src(%dma_wait3A_291 : memref<87x128xf32, #tpu.memory_space<vmem_shared>>) dst(%dma_wait3A_285 : memref<128x128xf32, #tpu.memory_space<vmem>>)
      %add3A_292 = arith.addi %mul3A_2, %add3A_280 : i32
      %mul3A_293 = arith.constant 128 : i32
      %mul3A_294 = arith.muli %add3A_292, %mul3A_293 : i32
      %dma_start3A_295 = arith.constant 0 : i32
      %dma_start3A_296 = arith.constant 0 : i32
      %dma_start3A_297 = arith.constant 0 : i32
      %dma_start3A_298 = tpu.memref_slice %arg7[%dma_start3A_295, %dma_start3A_296, %dma_start3A_297] : memref<7x128x128xf32, #tpu.memory_space<vmem>> -> memref<1x128x128xf32, #tpu.memory_space<vmem>>
      %dma_start3A_299 = tpu.memref_squeeze %dma_start3A_298 : memref<1x128x128xf32, #tpu.memory_space<vmem>> -> memref<128x128xf32, #tpu.memory_space<vmem>>
      %dma_start3A_300 = arith.constant 0 : i32
      %dma_start3A_301 = tpu.memref_slice %arg4[%mul3A_294, %dma_start3A_300] : memref<131072x128xf32, #tpu.memory_space<hbm>> -> memref<128x128xf32, #tpu.memory_space<hbm>>
      %dma_start3A_302 = arith.constant 0 : i32
      %dma_start3A_303 = tpu.memref_slice %arg4[%mul3A_294, %dma_start3A_302] : memref<131072x128xf32, #tpu.memory_space<hbm>> -> memref<128x128xf32, #tpu.memory_space<hbm>>
      %dma_start3A_304 = arith.constant 0 : i32
      %dma_start3A_305 = arith.constant 0 : i32
      %dma_start3A_306 = tpu.memref_slice %arg7[%dma_start3A_295, %dma_start3A_304, %dma_start3A_305] : memref<7x128x128xf32, #tpu.memory_space<vmem>> -> memref<1x128x128xf32, #tpu.memory_space<vmem>>
      %dma_start3A_307 = tpu.memref_squeeze %dma_start3A_306 : memref<1x128x128xf32, #tpu.memory_space<vmem>> -> memref<128x128xf32, #tpu.memory_space<vmem>>
      tpu.enqueue_dma source(%dma_start3A_307 : memref<128x128xf32, #tpu.memory_space<vmem>>) target(%dma_start3A_303 : memref<128x128xf32, #tpu.memory_space<hbm>>) target_semaphore(%arg15 : memref<!tpu.dma_semaphore, #tpu.memory_space<semaphore_mem>>)
      %mul3A_308 = arith.constant 7 : i32
      %mul3A_309 = arith.muli %scan3A_276, %mul3A_308 : i32
      %add3A_310 = arith.constant 1 : i32
      %add3A_311 = arith.addi %mul3A_309, %add3A_310 : i32
      %dma_wait3A_312 = arith.constant 1 : i32
      %dma_wait3A_313 = arith.constant 0 : i32
      %dma_wait3A_314 = arith.constant 0 : i32
      %dma_wait3A_315 = tpu.memref_slice %arg7[%dma_wait3A_312, %dma_wait3A_313, %dma_wait3A_314] : memref<7x128x128xf32, #tpu.memory_space<vmem>> -> memref<1x128x128xf32, #tpu.memory_space<vmem>>
      %dma_wait3A_316 = tpu.memref_squeeze %dma_wait3A_315 : memref<1x128x128xf32, #tpu.memory_space<vmem>> -> memref<128x128xf32, #tpu.memory_space<vmem>>
      %dma_wait3A_317 = arith.constant 0 : i32
      %dma_wait3A_318 = tpu.memref_slice %arg5[%add3A_311, %dma_wait3A_317] : memref<32x128xi32, #tpu.memory_space<vmem>> -> memref<1x128xi32, #tpu.memory_space<vmem>>
      %dma_wait3A_319 = tpu.memref_squeeze %dma_wait3A_318 : memref<1x128xi32, #tpu.memory_space<vmem>> -> memref<128xi32, #tpu.memory_space<vmem>>
      %dma_wait3A_320 = arith.constant 0 : i32
      %dma_wait3A_321 = arith.constant 0 : i32
      %dma_wait3A_322 = tpu.memref_slice %arg6[%dma_wait3A_320, %dma_wait3A_321] : memref<87x128xf32, #tpu.memory_space<vmem_shared>> -> memref<87x128xf32, #tpu.memory_space<vmem_shared>>
      tpu.wait_indirect_dma semaphore(%arg9 : memref<!tpu.dma_semaphore, #tpu.memory_space<semaphore_mem>>) src(%dma_wait3A_322 : memref<87x128xf32, #tpu.memory_space<vmem_shared>>) dst(%dma_wait3A_316 : memref<128x128xf32, #tpu.memory_space<vmem>>)
      %add3A_323 = arith.addi %mul3A_2, %add3A_311 : i32
      %mul3A_324 = arith.constant 128 : i32
      %mul3A_325 = arith.muli %add3A_323, %mul3A_324 : i32
      %dma_start3A_326 = arith.constant 1 : i32
      %dma_start3A_327 = arith.constant 0 : i32
      %dma_start3A_328 = arith.constant 0 : i32
      %dma_start3A_329 = tpu.memref_slice %arg7[%dma_start3A_326, %dma_start3A_327, %dma_start3A_328] : memref<7x128x128xf32, #tpu.memory_space<vmem>> -> memref<1x128x128xf32, #tpu.memory_space<vmem>>
      %dma_start3A_330 = tpu.memref_squeeze %dma_start3A_329 : memref<1x128x128xf32, #tpu.memory_space<vmem>> -> memref<128x128xf32, #tpu.memory_space<vmem>>
      %dma_start3A_331 = arith.constant 0 : i32
      %dma_start3A_332 = tpu.memref_slice %arg4[%mul3A_325, %dma_start3A_331] : memref<131072x128xf32, #tpu.memory_space<hbm>> -> memref<128x128xf32, #tpu.memory_space<hbm>>
      %dma_start3A_333 = arith.constant 0 : i32
      %dma_start3A_334 = tpu.memref_slice %arg4[%mul3A_325, %dma_start3A_333] : memref<131072x128xf32, #tpu.memory_space<hbm>> -> memref<128x128xf32, #tpu.memory_space<hbm>>
      %dma_start3A_335 = arith.constant 0 : i32
      %dma_start3A_336 = arith.constant 0 : i32
      %dma_start3A_337 = tpu.memref_slice %arg7[%dma_start3A_326, %dma_start3A_335, %dma_start3A_336] : memref<7x128x128xf32, #tpu.memory_space<vmem>> -> memref<1x128x128xf32, #tpu.memory_space<vmem>>
      %dma_start3A_338 = tpu.memref_squeeze %dma_start3A_337 : memref<1x128x128xf32, #tpu.memory_space<vmem>> -> memref<128x128xf32, #tpu.memory_space<vmem>>
      tpu.enqueue_dma source(%dma_start3A_338 : memref<128x128xf32, #tpu.memory_space<vmem>>) target(%dma_start3A_334 : memref<128x128xf32, #tpu.memory_space<hbm>>) target_semaphore(%arg16 : memref<!tpu.dma_semaphore, #tpu.memory_space<semaphore_mem>>)
      %mul3A_339 = arith.constant 7 : i32
      %mul3A_340 = arith.muli %scan3A_276, %mul3A_339 : i32
      %add3A_341 = arith.constant 2 : i32
      %add3A_342 = arith.addi %mul3A_340, %add3A_341 : i32
      %dma_wait3A_343 = arith.constant 2 : i32
      %dma_wait3A_344 = arith.constant 0 : i32
      %dma_wait3A_345 = arith.constant 0 : i32
      %dma_wait3A_346 = tpu.memref_slice %arg7[%dma_wait3A_343, %dma_wait3A_344, %dma_wait3A_345] : memref<7x128x128xf32, #tpu.memory_space<vmem>> -> memref<1x128x128xf32, #tpu.memory_space<vmem>>
      %dma_wait3A_347 = tpu.memref_squeeze %dma_wait3A_346 : memref<1x128x128xf32, #tpu.memory_space<vmem>> -> memref<128x128xf32, #tpu.memory_space<vmem>>
      %dma_wait3A_348 = arith.constant 0 : i32
      %dma_wait3A_349 = tpu.memref_slice %arg5[%add3A_342, %dma_wait3A_348] : memref<32x128xi32, #tpu.memory_space<vmem>> -> memref<1x128xi32, #tpu.memory_space<vmem>>
      %dma_wait3A_350 = tpu.memref_squeeze %dma_wait3A_349 : memref<1x128xi32, #tpu.memory_space<vmem>> -> memref<128xi32, #tpu.memory_space<vmem>>
      %dma_wait3A_351 = arith.constant 0 : i32
      %dma_wait3A_352 = arith.constant 0 : i32
      %dma_wait3A_353 = tpu.memref_slice %arg6[%dma_wait3A_351, %dma_wait3A_352] : memref<87x128xf32, #tpu.memory_space<vmem_shared>> -> memref<87x128xf32, #tpu.memory_space<vmem_shared>>
      tpu.wait_indirect_dma semaphore(%arg10 : memref<!tpu.dma_semaphore, #tpu.memory_space<semaphore_mem>>) src(%dma_wait3A_353 : memref<87x128xf32, #tpu.memory_space<vmem_shared>>) dst(%dma_wait3A_347 : memref<128x128xf32, #tpu.memory_space<vmem>>)
      %add3A_354 = arith.addi %mul3A_2, %add3A_342 : i32
      %mul3A_355 = arith.constant 128 : i32
      %mul3A_356 = arith.muli %add3A_354, %mul3A_355 : i32
      %dma_start3A_357 = arith.constant 2 : i32
      %dma_start3A_358 = arith.constant 0 : i32
      %dma_start3A_359 = arith.constant 0 : i32
      %dma_start3A_360 = tpu.memref_slice %arg7[%dma_start3A_357, %dma_start3A_358, %dma_start3A_359] : memref<7x128x128xf32, #tpu.memory_space<vmem>> -> memref<1x128x128xf32, #tpu.memory_space<vmem>>
      %dma_start3A_361 = tpu.memref_squeeze %dma_start3A_360 : memref<1x128x128xf32, #tpu.memory_space<vmem>> -> memref<128x128xf32, #tpu.memory_space<vmem>>
      %dma_start3A_362 = arith.constant 0 : i32
      %dma_start3A_363 = tpu.memref_slice %arg4[%mul3A_356, %dma_start3A_362] : memref<131072x128xf32, #tpu.memory_space<hbm>> -> memref<128x128xf32, #tpu.memory_space<hbm>>
      %dma_start3A_364 = arith.constant 0 : i32
      %dma_start3A_365 = tpu.memref_slice %arg4[%mul3A_356, %dma_start3A_364] : memref<131072x128xf32, #tpu.memory_space<hbm>> -> memref<128x128xf32, #tpu.memory_space<hbm>>
      %dma_start3A_366 = arith.constant 0 : i32
      %dma_start3A_367 = arith.constant 0 : i32
      %dma_start3A_368 = tpu.memref_slice %arg7[%dma_start3A_357, %dma_start3A_366, %dma_start3A_367] : memref<7x128x128xf32, #tpu.memory_space<vmem>> -> memref<1x128x128xf32, #tpu.memory_space<vmem>>
      %dma_start3A_369 = tpu.memref_squeeze %dma_start3A_368 : memref<1x128x128xf32, #tpu.memory_space<vmem>> -> memref<128x128xf32, #tpu.memory_space<vmem>>
      tpu.enqueue_dma source(%dma_start3A_369 : memref<128x128xf32, #tpu.memory_space<vmem>>) target(%dma_start3A_365 : memref<128x128xf32, #tpu.memory_space<hbm>>) target_semaphore(%arg17 : memref<!tpu.dma_semaphore, #tpu.memory_space<semaphore_mem>>)
      %mul3A_370 = arith.constant 7 : i32
      %mul3A_371 = arith.muli %scan3A_276, %mul3A_370 : i32
      %add3A_372 = arith.constant 3 : i32
      %add3A_373 = arith.addi %mul3A_371, %add3A_372 : i32
      %dma_wait3A_374 = arith.constant 3 : i32
      %dma_wait3A_375 = arith.constant 0 : i32
      %dma_wait3A_376 = arith.constant 0 : i32
      %dma_wait3A_377 = tpu.memref_slice %arg7[%dma_wait3A_374, %dma_wait3A_375, %dma_wait3A_376] : memref<7x128x128xf32, #tpu.memory_space<vmem>> -> memref<1x128x128xf32, #tpu.memory_space<vmem>>
      %dma_wait3A_378 = tpu.memref_squeeze %dma_wait3A_377 : memref<1x128x128xf32, #tpu.memory_space<vmem>> -> memref<128x128xf32, #tpu.memory_space<vmem>>
      %dma_wait3A_379 = arith.constant 0 : i32
      %dma_wait3A_380 = tpu.memref_slice %arg5[%add3A_373, %dma_wait3A_379] : memref<32x128xi32, #tpu.memory_space<vmem>> -> memref<1x128xi32, #tpu.memory_space<vmem>>
      %dma_wait3A_381 = tpu.memref_squeeze %dma_wait3A_380 : memref<1x128xi32, #tpu.memory_space<vmem>> -> memref<128xi32, #tpu.memory_space<vmem>>
      %dma_wait3A_382 = arith.constant 0 : i32
      %dma_wait3A_383 = arith.constant 0 : i32
      %dma_wait3A_384 = tpu.memref_slice %arg6[%dma_wait3A_382, %dma_wait3A_383] : memref<87x128xf32, #tpu.memory_space<vmem_shared>> -> memref<87x128xf32, #tpu.memory_space<vmem_shared>>
      tpu.wait_indirect_dma semaphore(%arg11 : memref<!tpu.dma_semaphore, #tpu.memory_space<semaphore_mem>>) src(%dma_wait3A_384 : memref<87x128xf32, #tpu.memory_space<vmem_shared>>) dst(%dma_wait3A_378 : memref<128x128xf32, #tpu.memory_space<vmem>>)
      %add3A_385 = arith.addi %mul3A_2, %add3A_373 : i32
      %mul3A_386 = arith.constant 128 : i32
      %mul3A_387 = arith.muli %add3A_385, %mul3A_386 : i32
      %dma_start3A_388 = arith.constant 3 : i32
      %dma_start3A_389 = arith.constant 0 : i32
      %dma_start3A_390 = arith.constant 0 : i32
      %dma_start3A_391 = tpu.memref_slice %arg7[%dma_start3A_388, %dma_start3A_389, %dma_start3A_390] : memref<7x128x128xf32, #tpu.memory_space<vmem>> -> memref<1x128x128xf32, #tpu.memory_space<vmem>>
      %dma_start3A_392 = tpu.memref_squeeze %dma_start3A_391 : memref<1x128x128xf32, #tpu.memory_space<vmem>> -> memref<128x128xf32, #tpu.memory_space<vmem>>
      %dma_start3A_393 = arith.constant 0 : i32
      %dma_start3A_394 = tpu.memref_slice %arg4[%mul3A_387, %dma_start3A_393] : memref<131072x128xf32, #tpu.memory_space<hbm>> -> memref<128x128xf32, #tpu.memory_space<hbm>>
      %dma_start3A_395 = arith.constant 0 : i32
      %dma_start3A_396 = tpu.memref_slice %arg4[%mul3A_387, %dma_start3A_395] : memref<131072x128xf32, #tpu.memory_space<hbm>> -> memref<128x128xf32, #tpu.memory_space<hbm>>
      %dma_start3A_397 = arith.constant 0 : i32
      %dma_start3A_398 = arith.constant 0 : i32
      %dma_start3A_399 = tpu.memref_slice %arg7[%dma_start3A_388, %dma_start3A_397, %dma_start3A_398] : memref<7x128x128xf32, #tpu.memory_space<vmem>> -> memref<1x128x128xf32, #tpu.memory_space<vmem>>
      %dma_start3A_400 = tpu.memref_squeeze %dma_start3A_399 : memref<1x128x128xf32, #tpu.memory_space<vmem>> -> memref<128x128xf32, #tpu.memory_space<vmem>>
      tpu.enqueue_dma source(%dma_start3A_400 : memref<128x128xf32, #tpu.memory_space<vmem>>) target(%dma_start3A_396 : memref<128x128xf32, #tpu.memory_space<hbm>>) target_semaphore(%arg18 : memref<!tpu.dma_semaphore, #tpu.memory_space<semaphore_mem>>)
      %mul3A_401 = arith.constant 7 : i32
      %mul3A_402 = arith.muli %scan3A_276, %mul3A_401 : i32
      %add3A_403 = arith.constant 4 : i32
      %add3A_404 = arith.addi %mul3A_402, %add3A_403 : i32
      %dma_wait3A_405 = arith.constant 4 : i32
      %dma_wait3A_406 = arith.constant 0 : i32
      %dma_wait3A_407 = arith.constant 0 : i32
      %dma_wait3A_408 = tpu.memref_slice %arg7[%dma_wait3A_405, %dma_wait3A_406, %dma_wait3A_407] : memref<7x128x128xf32, #tpu.memory_space<vmem>> -> memref<1x128x128xf32, #tpu.memory_space<vmem>>
      %dma_wait3A_409 = tpu.memref_squeeze %dma_wait3A_408 : memref<1x128x128xf32, #tpu.memory_space<vmem>> -> memref<128x128xf32, #tpu.memory_space<vmem>>
      %dma_wait3A_410 = arith.constant 0 : i32
      %dma_wait3A_411 = tpu.memref_slice %arg5[%add3A_404, %dma_wait3A_410] : memref<32x128xi32, #tpu.memory_space<vmem>> -> memref<1x128xi32, #tpu.memory_space<vmem>>
      %dma_wait3A_412 = tpu.memref_squeeze %dma_wait3A_411 : memref<1x128xi32, #tpu.memory_space<vmem>> -> memref<128xi32, #tpu.memory_space<vmem>>
      %dma_wait3A_413 = arith.constant 0 : i32
      %dma_wait3A_414 = arith.constant 0 : i32
      %dma_wait3A_415 = tpu.memref_slice %arg6[%dma_wait3A_413, %dma_wait3A_414] : memref<87x128xf32, #tpu.memory_space<vmem_shared>> -> memref<87x128xf32, #tpu.memory_space<vmem_shared>>
      tpu.wait_indirect_dma semaphore(%arg12 : memref<!tpu.dma_semaphore, #tpu.memory_space<semaphore_mem>>) src(%dma_wait3A_415 : memref<87x128xf32, #tpu.memory_space<vmem_shared>>) dst(%dma_wait3A_409 : memref<128x128xf32, #tpu.memory_space<vmem>>)
      %add3A_416 = arith.addi %mul3A_2, %add3A_404 : i32
      %mul3A_417 = arith.constant 128 : i32
      %mul3A_418 = arith.muli %add3A_416, %mul3A_417 : i32
      %dma_start3A_419 = arith.constant 4 : i32
      %dma_start3A_420 = arith.constant 0 : i32
      %dma_start3A_421 = arith.constant 0 : i32
      %dma_start3A_422 = tpu.memref_slice %arg7[%dma_start3A_419, %dma_start3A_420, %dma_start3A_421] : memref<7x128x128xf32, #tpu.memory_space<vmem>> -> memref<1x128x128xf32, #tpu.memory_space<vmem>>
      %dma_start3A_423 = tpu.memref_squeeze %dma_start3A_422 : memref<1x128x128xf32, #tpu.memory_space<vmem>> -> memref<128x128xf32, #tpu.memory_space<vmem>>
      %dma_start3A_424 = arith.constant 0 : i32
      %dma_start3A_425 = tpu.memref_slice %arg4[%mul3A_418, %dma_start3A_424] : memref<131072x128xf32, #tpu.memory_space<hbm>> -> memref<128x128xf32, #tpu.memory_space<hbm>>
      %dma_start3A_426 = arith.constant 0 : i32
      %dma_start3A_427 = tpu.memref_slice %arg4[%mul3A_418, %dma_start3A_426] : memref<131072x128xf32, #tpu.memory_space<hbm>> -> memref<128x128xf32, #tpu.memory_space<hbm>>
      %dma_start3A_428 = arith.constant 0 : i32
      %dma_start3A_429 = arith.constant 0 : i32
      %dma_start3A_430 = tpu.memref_slice %arg7[%dma_start3A_419, %dma_start3A_428, %dma_start3A_429] : memref<7x128x128xf32, #tpu.memory_space<vmem>> -> memref<1x128x128xf32, #tpu.memory_space<vmem>>
      %dma_start3A_431 = tpu.memref_squeeze %dma_start3A_430 : memref<1x128x128xf32, #tpu.memory_space<vmem>> -> memref<128x128xf32, #tpu.memory_space<vmem>>
      tpu.enqueue_dma source(%dma_start3A_431 : memref<128x128xf32, #tpu.memory_space<vmem>>) target(%dma_start3A_427 : memref<128x128xf32, #tpu.memory_space<hbm>>) target_semaphore(%arg19 : memref<!tpu.dma_semaphore, #tpu.memory_space<semaphore_mem>>)
      %mul3A_432 = arith.constant 7 : i32
      %mul3A_433 = arith.muli %scan3A_276, %mul3A_432 : i32
      %add3A_434 = arith.constant 5 : i32
      %add3A_435 = arith.addi %mul3A_433, %add3A_434 : i32
      %dma_wait3A_436 = arith.constant 5 : i32
      %dma_wait3A_437 = arith.constant 0 : i32
      %dma_wait3A_438 = arith.constant 0 : i32
      %dma_wait3A_439 = tpu.memref_slice %arg7[%dma_wait3A_436, %dma_wait3A_437, %dma_wait3A_438] : memref<7x128x128xf32, #tpu.memory_space<vmem>> -> memref<1x128x128xf32, #tpu.memory_space<vmem>>
      %dma_wait3A_440 = tpu.memref_squeeze %dma_wait3A_439 : memref<1x128x128xf32, #tpu.memory_space<vmem>> -> memref<128x128xf32, #tpu.memory_space<vmem>>
      %dma_wait3A_441 = arith.constant 0 : i32
      %dma_wait3A_442 = tpu.memref_slice %arg5[%add3A_435, %dma_wait3A_441] : memref<32x128xi32, #tpu.memory_space<vmem>> -> memref<1x128xi32, #tpu.memory_space<vmem>>
      %dma_wait3A_443 = tpu.memref_squeeze %dma_wait3A_442 : memref<1x128xi32, #tpu.memory_space<vmem>> -> memref<128xi32, #tpu.memory_space<vmem>>
      %dma_wait3A_444 = arith.constant 0 : i32
      %dma_wait3A_445 = arith.constant 0 : i32
      %dma_wait3A_446 = tpu.memref_slice %arg6[%dma_wait3A_444, %dma_wait3A_445] : memref<87x128xf32, #tpu.memory_space<vmem_shared>> -> memref<87x128xf32, #tpu.memory_space<vmem_shared>>
      tpu.wait_indirect_dma semaphore(%arg13 : memref<!tpu.dma_semaphore, #tpu.memory_space<semaphore_mem>>) src(%dma_wait3A_446 : memref<87x128xf32, #tpu.memory_space<vmem_shared>>) dst(%dma_wait3A_440 : memref<128x128xf32, #tpu.memory_space<vmem>>)
      %add3A_447 = arith.addi %mul3A_2, %add3A_435 : i32
      %mul3A_448 = arith.constant 128 : i32
      %mul3A_449 = arith.muli %add3A_447, %mul3A_448 : i32
      %dma_start3A_450 = arith.constant 5 : i32
      %dma_start3A_451 = arith.constant 0 : i32
      %dma_start3A_452 = arith.constant 0 : i32
      %dma_start3A_453 = tpu.memref_slice %arg7[%dma_start3A_450, %dma_start3A_451, %dma_start3A_452] : memref<7x128x128xf32, #tpu.memory_space<vmem>> -> memref<1x128x128xf32, #tpu.memory_space<vmem>>
      %dma_start3A_454 = tpu.memref_squeeze %dma_start3A_453 : memref<1x128x128xf32, #tpu.memory_space<vmem>> -> memref<128x128xf32, #tpu.memory_space<vmem>>
      %dma_start3A_455 = arith.constant 0 : i32
      %dma_start3A_456 = tpu.memref_slice %arg4[%mul3A_449, %dma_start3A_455] : memref<131072x128xf32, #tpu.memory_space<hbm>> -> memref<128x128xf32, #tpu.memory_space<hbm>>
      %dma_start3A_457 = arith.constant 0 : i32
      %dma_start3A_458 = tpu.memref_slice %arg4[%mul3A_449, %dma_start3A_457] : memref<131072x128xf32, #tpu.memory_space<hbm>> -> memref<128x128xf32, #tpu.memory_space<hbm>>
      %dma_start3A_459 = arith.constant 0 : i32
      %dma_start3A_460 = arith.constant 0 : i32
      %dma_start3A_461 = tpu.memref_slice %arg7[%dma_start3A_450, %dma_start3A_459, %dma_start3A_460] : memref<7x128x128xf32, #tpu.memory_space<vmem>> -> memref<1x128x128xf32, #tpu.memory_space<vmem>>
      %dma_start3A_462 = tpu.memref_squeeze %dma_start3A_461 : memref<1x128x128xf32, #tpu.memory_space<vmem>> -> memref<128x128xf32, #tpu.memory_space<vmem>>
      tpu.enqueue_dma source(%dma_start3A_462 : memref<128x128xf32, #tpu.memory_space<vmem>>) target(%dma_start3A_458 : memref<128x128xf32, #tpu.memory_space<hbm>>) target_semaphore(%arg20 : memref<!tpu.dma_semaphore, #tpu.memory_space<semaphore_mem>>)
      %mul3A_463 = arith.constant 7 : i32
      %mul3A_464 = arith.muli %scan3A_276, %mul3A_463 : i32
      %add3A_465 = arith.constant 6 : i32
      %add3A_466 = arith.addi %mul3A_464, %add3A_465 : i32
      %dma_wait3A_467 = arith.constant 6 : i32
      %dma_wait3A_468 = arith.constant 0 : i32
      %dma_wait3A_469 = arith.constant 0 : i32
      %dma_wait3A_470 = tpu.memref_slice %arg7[%dma_wait3A_467, %dma_wait3A_468, %dma_wait3A_469] : memref<7x128x128xf32, #tpu.memory_space<vmem>> -> memref<1x128x128xf32, #tpu.memory_space<vmem>>
      %dma_wait3A_471 = tpu.memref_squeeze %dma_wait3A_470 : memref<1x128x128xf32, #tpu.memory_space<vmem>> -> memref<128x128xf32, #tpu.memory_space<vmem>>
      %dma_wait3A_472 = arith.constant 0 : i32
      %dma_wait3A_473 = tpu.memref_slice %arg5[%add3A_466, %dma_wait3A_472] : memref<32x128xi32, #tpu.memory_space<vmem>> -> memref<1x128xi32, #tpu.memory_space<vmem>>
      %dma_wait3A_474 = tpu.memref_squeeze %dma_wait3A_473 : memref<1x128xi32, #tpu.memory_space<vmem>> -> memref<128xi32, #tpu.memory_space<vmem>>
      %dma_wait3A_475 = arith.constant 0 : i32
      %dma_wait3A_476 = arith.constant 0 : i32
      %dma_wait3A_477 = tpu.memref_slice %arg6[%dma_wait3A_475, %dma_wait3A_476] : memref<87x128xf32, #tpu.memory_space<vmem_shared>> -> memref<87x128xf32, #tpu.memory_space<vmem_shared>>
      tpu.wait_indirect_dma semaphore(%arg14 : memref<!tpu.dma_semaphore, #tpu.memory_space<semaphore_mem>>) src(%dma_wait3A_477 : memref<87x128xf32, #tpu.memory_space<vmem_shared>>) dst(%dma_wait3A_471 : memref<128x128xf32, #tpu.memory_space<vmem>>)
      %add3A_478 = arith.addi %mul3A_2, %add3A_466 : i32
      %mul3A_479 = arith.constant 128 : i32
      %mul3A_480 = arith.muli %add3A_478, %mul3A_479 : i32
      %dma_start3A_481 = arith.constant 6 : i32
      %dma_start3A_482 = arith.constant 0 : i32
      %dma_start3A_483 = arith.constant 0 : i32
      %dma_start3A_484 = tpu.memref_slice %arg7[%dma_start3A_481, %dma_start3A_482, %dma_start3A_483] : memref<7x128x128xf32, #tpu.memory_space<vmem>> -> memref<1x128x128xf32, #tpu.memory_space<vmem>>
      %dma_start3A_485 = tpu.memref_squeeze %dma_start3A_484 : memref<1x128x128xf32, #tpu.memory_space<vmem>> -> memref<128x128xf32, #tpu.memory_space<vmem>>
      %dma_start3A_486 = arith.constant 0 : i32
      %dma_start3A_487 = tpu.memref_slice %arg4[%mul3A_480, %dma_start3A_486] : memref<131072x128xf32, #tpu.memory_space<hbm>> -> memref<128x128xf32, #tpu.memory_space<hbm>>
      %dma_start3A_488 = arith.constant 0 : i32
      %dma_start3A_489 = tpu.memref_slice %arg4[%mul3A_480, %dma_start3A_488] : memref<131072x128xf32, #tpu.memory_space<hbm>> -> memref<128x128xf32, #tpu.memory_space<hbm>>
      %dma_start3A_490 = arith.constant 0 : i32
      %dma_start3A_491 = arith.constant 0 : i32
      %dma_start3A_492 = tpu.memref_slice %arg7[%dma_start3A_481, %dma_start3A_490, %dma_start3A_491] : memref<7x128x128xf32, #tpu.memory_space<vmem>> -> memref<1x128x128xf32, #tpu.memory_space<vmem>>
      %dma_start3A_493 = tpu.memref_squeeze %dma_start3A_492 : memref<1x128x128xf32, #tpu.memory_space<vmem>> -> memref<128x128xf32, #tpu.memory_space<vmem>>
      tpu.enqueue_dma source(%dma_start3A_493 : memref<128x128xf32, #tpu.memory_space<vmem>>) target(%dma_start3A_489 : memref<128x128xf32, #tpu.memory_space<hbm>>) target_semaphore(%arg21 : memref<!tpu.dma_semaphore, #tpu.memory_space<semaphore_mem>>)
      %mul3A_494 = arith.constant 7 : i32
      %mul3A_495 = arith.muli %scan3A_276, %mul3A_494 : i32
      %add3A_496 = arith.constant 0 : i32
      %add3A_497 = arith.addi %mul3A_495, %add3A_496 : i32
      %add3A_498 = arith.addi %mul3A_2, %add3A_497 : i32
      %mul3A_499 = arith.constant 128 : i32
      %mul3A_500 = arith.muli %add3A_498, %mul3A_499 : i32
      %dma_wait3A_501 = arith.constant 0 : i32
      %dma_wait3A_502 = arith.constant 0 : i32
      %dma_wait3A_503 = arith.constant 0 : i32
      %dma_wait3A_504 = tpu.memref_slice %arg7[%dma_wait3A_501, %dma_wait3A_502, %dma_wait3A_503] : memref<7x128x128xf32, #tpu.memory_space<vmem>> -> memref<1x128x128xf32, #tpu.memory_space<vmem>>
      %dma_wait3A_505 = tpu.memref_squeeze %dma_wait3A_504 : memref<1x128x128xf32, #tpu.memory_space<vmem>> -> memref<128x128xf32, #tpu.memory_space<vmem>>
      %dma_wait3A_506 = arith.constant 0 : i32
      %dma_wait3A_507 = tpu.memref_slice %arg4[%mul3A_500, %dma_wait3A_506] : memref<131072x128xf32, #tpu.memory_space<hbm>> -> memref<128x128xf32, #tpu.memory_space<hbm>>
      %dma_wait3A_508 = arith.constant 0 : i32
      %dma_wait3A_509 = tpu.memref_slice %arg4[%mul3A_500, %dma_wait3A_508] : memref<131072x128xf32, #tpu.memory_space<hbm>> -> memref<128x128xf32, #tpu.memory_space<hbm>>
      %dma_wait3A_510 = arith.constant 0 : i32
      %dma_wait3A_511 = arith.constant 0 : i32
      %dma_wait3A_512 = tpu.memref_slice %arg7[%dma_wait3A_501, %dma_wait3A_510, %dma_wait3A_511] : memref<7x128x128xf32, #tpu.memory_space<vmem>> -> memref<1x128x128xf32, #tpu.memory_space<vmem>>
      %dma_wait3A_513 = tpu.memref_squeeze %dma_wait3A_512 : memref<1x128x128xf32, #tpu.memory_space<vmem>> -> memref<128x128xf32, #tpu.memory_space<vmem>>
      tpu.wait_dma2 semaphore(%arg15 : memref<!tpu.dma_semaphore, #tpu.memory_space<semaphore_mem>>) src(%dma_wait3A_513 : memref<128x128xf32, #tpu.memory_space<vmem>>) dst(%dma_wait3A_509 : memref<128x128xf32, #tpu.memory_space<hbm>>)
      %add3A_514 = arith.constant 7 : i32
      %add3A_515 = arith.addi %add3A_497, %add3A_514 : i32
      %lt3A = arith.constant 32 : i32
      %lt3A_516 = arith.cmpi slt, %add3A_515, %lt3A : i32
      %convert_element_type3A_517 = arith.extui %lt3A_516 : i1 to i32
      %cond3A_518 = arith.constant 0 : i32
      %cond3A_519 = arith.cmpi ne, %convert_element_type3A_517, %cond3A_518 : i32
      scf.if %cond3A_519 {
        %add3A_682 = arith.constant 7 : i32
        %add3A_683 = arith.addi %add3A_497, %add3A_682 : i32
        %dma_start3A_684 = arith.constant 0 : i32
        %dma_start3A_685 = arith.constant 0 : i32
        %dma_start3A_686 = arith.constant 0 : i32
        %dma_start3A_687 = tpu.memref_slice %arg7[%dma_start3A_684, %dma_start3A_685, %dma_start3A_686] : memref<7x128x128xf32, #tpu.memory_space<vmem>> -> memref<1x128x128xf32, #tpu.memory_space<vmem>>
        %dma_start3A_688 = tpu.memref_squeeze %dma_start3A_687 : memref<1x128x128xf32, #tpu.memory_space<vmem>> -> memref<128x128xf32, #tpu.memory_space<vmem>>
        %dma_start3A_689 = arith.constant 0 : i32
        %dma_start3A_690 = tpu.memref_slice %arg5[%add3A_683, %dma_start3A_689] : memref<32x128xi32, #tpu.memory_space<vmem>> -> memref<1x128xi32, #tpu.memory_space<vmem>>
        %dma_start3A_691 = tpu.memref_squeeze %dma_start3A_690 : memref<1x128xi32, #tpu.memory_space<vmem>> -> memref<128xi32, #tpu.memory_space<vmem>>
        %dma_start3A_692 = arith.constant 0 : i32
        %dma_start3A_693 = arith.constant 0 : i32
        %dma_start3A_694 = tpu.memref_slice %arg6[%dma_start3A_692, %dma_start3A_693] : memref<87x128xf32, #tpu.memory_space<vmem_shared>> -> memref<87x128xf32, #tpu.memory_space<vmem_shared>>
        tpu.enqueue_indirect_dma source(%dma_start3A_694 : memref<87x128xf32, #tpu.memory_space<vmem_shared>>) target(%dma_start3A_688 : memref<128x128xf32, #tpu.memory_space<vmem>>) offsets(%dma_start3A_691 : memref<128xi32, #tpu.memory_space<vmem>>) semaphore(%arg8 : memref<!tpu.dma_semaphore, #tpu.memory_space<semaphore_mem>>)
      } else {
      }
      %mul3A_520 = arith.constant 7 : i32
      %mul3A_521 = arith.muli %scan3A_276, %mul3A_520 : i32
      %add3A_522 = arith.constant 1 : i32
      %add3A_523 = arith.addi %mul3A_521, %add3A_522 : i32
      %add3A_524 = arith.addi %mul3A_2, %add3A_523 : i32
      %mul3A_525 = arith.constant 128 : i32
      %mul3A_526 = arith.muli %add3A_524, %mul3A_525 : i32
      %dma_wait3A_527 = arith.constant 1 : i32
      %dma_wait3A_528 = arith.constant 0 : i32
      %dma_wait3A_529 = arith.constant 0 : i32
      %dma_wait3A_530 = tpu.memref_slice %arg7[%dma_wait3A_527, %dma_wait3A_528, %dma_wait3A_529] : memref<7x128x128xf32, #tpu.memory_space<vmem>> -> memref<1x128x128xf32, #tpu.memory_space<vmem>>
      %dma_wait3A_531 = tpu.memref_squeeze %dma_wait3A_530 : memref<1x128x128xf32, #tpu.memory_space<vmem>> -> memref<128x128xf32, #tpu.memory_space<vmem>>
      %dma_wait3A_532 = arith.constant 0 : i32
      %dma_wait3A_533 = tpu.memref_slice %arg4[%mul3A_526, %dma_wait3A_532] : memref<131072x128xf32, #tpu.memory_space<hbm>> -> memref<128x128xf32, #tpu.memory_space<hbm>>
      %dma_wait3A_534 = arith.constant 0 : i32
      %dma_wait3A_535 = tpu.memref_slice %arg4[%mul3A_526, %dma_wait3A_534] : memref<131072x128xf32, #tpu.memory_space<hbm>> -> memref<128x128xf32, #tpu.memory_space<hbm>>
      %dma_wait3A_536 = arith.constant 0 : i32
      %dma_wait3A_537 = arith.constant 0 : i32
      %dma_wait3A_538 = tpu.memref_slice %arg7[%dma_wait3A_527, %dma_wait3A_536, %dma_wait3A_537] : memref<7x128x128xf32, #tpu.memory_space<vmem>> -> memref<1x128x128xf32, #tpu.memory_space<vmem>>
      %dma_wait3A_539 = tpu.memref_squeeze %dma_wait3A_538 : memref<1x128x128xf32, #tpu.memory_space<vmem>> -> memref<128x128xf32, #tpu.memory_space<vmem>>
      tpu.wait_dma2 semaphore(%arg16 : memref<!tpu.dma_semaphore, #tpu.memory_space<semaphore_mem>>) src(%dma_wait3A_539 : memref<128x128xf32, #tpu.memory_space<vmem>>) dst(%dma_wait3A_535 : memref<128x128xf32, #tpu.memory_space<hbm>>)
      %add3A_540 = arith.constant 7 : i32
      %add3A_541 = arith.addi %add3A_523, %add3A_540 : i32
      %lt3A_542 = arith.constant 32 : i32
      %lt3A_543 = arith.cmpi slt, %add3A_541, %lt3A_542 : i32
      %convert_element_type3A_544 = arith.extui %lt3A_543 : i1 to i32
      %cond3A_545 = arith.constant 0 : i32
      %cond3A_546 = arith.cmpi ne, %convert_element_type3A_544, %cond3A_545 : i32
      scf.if %cond3A_546 {
        %add3A_682 = arith.constant 7 : i32
        %add3A_683 = arith.addi %add3A_523, %add3A_682 : i32
        %dma_start3A_684 = arith.constant 1 : i32
        %dma_start3A_685 = arith.constant 0 : i32
        %dma_start3A_686 = arith.constant 0 : i32
        %dma_start3A_687 = tpu.memref_slice %arg7[%dma_start3A_684, %dma_start3A_685, %dma_start3A_686] : memref<7x128x128xf32, #tpu.memory_space<vmem>> -> memref<1x128x128xf32, #tpu.memory_space<vmem>>
        %dma_start3A_688 = tpu.memref_squeeze %dma_start3A_687 : memref<1x128x128xf32, #tpu.memory_space<vmem>> -> memref<128x128xf32, #tpu.memory_space<vmem>>
        %dma_start3A_689 = arith.constant 0 : i32
        %dma_start3A_690 = tpu.memref_slice %arg5[%add3A_683, %dma_start3A_689] : memref<32x128xi32, #tpu.memory_space<vmem>> -> memref<1x128xi32, #tpu.memory_space<vmem>>
        %dma_start3A_691 = tpu.memref_squeeze %dma_start3A_690 : memref<1x128xi32, #tpu.memory_space<vmem>> -> memref<128xi32, #tpu.memory_space<vmem>>
        %dma_start3A_692 = arith.constant 0 : i32
        %dma_start3A_693 = arith.constant 0 : i32
        %dma_start3A_694 = tpu.memref_slice %arg6[%dma_start3A_692, %dma_start3A_693] : memref<87x128xf32, #tpu.memory_space<vmem_shared>> -> memref<87x128xf32, #tpu.memory_space<vmem_shared>>
        tpu.enqueue_indirect_dma source(%dma_start3A_694 : memref<87x128xf32, #tpu.memory_space<vmem_shared>>) target(%dma_start3A_688 : memref<128x128xf32, #tpu.memory_space<vmem>>) offsets(%dma_start3A_691 : memref<128xi32, #tpu.memory_space<vmem>>) semaphore(%arg9 : memref<!tpu.dma_semaphore, #tpu.memory_space<semaphore_mem>>)
      } else {
      }
      %mul3A_547 = arith.constant 7 : i32
      %mul3A_548 = arith.muli %scan3A_276, %mul3A_547 : i32
      %add3A_549 = arith.constant 2 : i32
      %add3A_550 = arith.addi %mul3A_548, %add3A_549 : i32
      %add3A_551 = arith.addi %mul3A_2, %add3A_550 : i32
      %mul3A_552 = arith.constant 128 : i32
      %mul3A_553 = arith.muli %add3A_551, %mul3A_552 : i32
      %dma_wait3A_554 = arith.constant 2 : i32
      %dma_wait3A_555 = arith.constant 0 : i32
      %dma_wait3A_556 = arith.constant 0 : i32
      %dma_wait3A_557 = tpu.memref_slice %arg7[%dma_wait3A_554, %dma_wait3A_555, %dma_wait3A_556] : memref<7x128x128xf32, #tpu.memory_space<vmem>> -> memref<1x128x128xf32, #tpu.memory_space<vmem>>
      %dma_wait3A_558 = tpu.memref_squeeze %dma_wait3A_557 : memref<1x128x128xf32, #tpu.memory_space<vmem>> -> memref<128x128xf32, #tpu.memory_space<vmem>>
      %dma_wait3A_559 = arith.constant 0 : i32
      %dma_wait3A_560 = tpu.memref_slice %arg4[%mul3A_553, %dma_wait3A_559] : memref<131072x128xf32, #tpu.memory_space<hbm>> -> memref<128x128xf32, #tpu.memory_space<hbm>>
      %dma_wait3A_561 = arith.constant 0 : i32
      %dma_wait3A_562 = tpu.memref_slice %arg4[%mul3A_553, %dma_wait3A_561] : memref<131072x128xf32, #tpu.memory_space<hbm>> -> memref<128x128xf32, #tpu.memory_space<hbm>>
      %dma_wait3A_563 = arith.constant 0 : i32
      %dma_wait3A_564 = arith.constant 0 : i32
      %dma_wait3A_565 = tpu.memref_slice %arg7[%dma_wait3A_554, %dma_wait3A_563, %dma_wait3A_564] : memref<7x128x128xf32, #tpu.memory_space<vmem>> -> memref<1x128x128xf32, #tpu.memory_space<vmem>>
      %dma_wait3A_566 = tpu.memref_squeeze %dma_wait3A_565 : memref<1x128x128xf32, #tpu.memory_space<vmem>> -> memref<128x128xf32, #tpu.memory_space<vmem>>
      tpu.wait_dma2 semaphore(%arg17 : memref<!tpu.dma_semaphore, #tpu.memory_space<semaphore_mem>>) src(%dma_wait3A_566 : memref<128x128xf32, #tpu.memory_space<vmem>>) dst(%dma_wait3A_562 : memref<128x128xf32, #tpu.memory_space<hbm>>)
      %add3A_567 = arith.constant 7 : i32
      %add3A_568 = arith.addi %add3A_550, %add3A_567 : i32
      %lt3A_569 = arith.constant 32 : i32
      %lt3A_570 = arith.cmpi slt, %add3A_568, %lt3A_569 : i32
      %convert_element_type3A_571 = arith.extui %lt3A_570 : i1 to i32
      %cond3A_572 = arith.constant 0 : i32
      %cond3A_573 = arith.cmpi ne, %convert_element_type3A_571, %cond3A_572 : i32
      scf.if %cond3A_573 {
        %add3A_682 = arith.constant 7 : i32
        %add3A_683 = arith.addi %add3A_550, %add3A_682 : i32
        %dma_start3A_684 = arith.constant 2 : i32
        %dma_start3A_685 = arith.constant 0 : i32
        %dma_start3A_686 = arith.constant 0 : i32
        %dma_start3A_687 = tpu.memref_slice %arg7[%dma_start3A_684, %dma_start3A_685, %dma_start3A_686] : memref<7x128x128xf32, #tpu.memory_space<vmem>> -> memref<1x128x128xf32, #tpu.memory_space<vmem>>
        %dma_start3A_688 = tpu.memref_squeeze %dma_start3A_687 : memref<1x128x128xf32, #tpu.memory_space<vmem>> -> memref<128x128xf32, #tpu.memory_space<vmem>>
        %dma_start3A_689 = arith.constant 0 : i32
        %dma_start3A_690 = tpu.memref_slice %arg5[%add3A_683, %dma_start3A_689] : memref<32x128xi32, #tpu.memory_space<vmem>> -> memref<1x128xi32, #tpu.memory_space<vmem>>
        %dma_start3A_691 = tpu.memref_squeeze %dma_start3A_690 : memref<1x128xi32, #tpu.memory_space<vmem>> -> memref<128xi32, #tpu.memory_space<vmem>>
        %dma_start3A_692 = arith.constant 0 : i32
        %dma_start3A_693 = arith.constant 0 : i32
        %dma_start3A_694 = tpu.memref_slice %arg6[%dma_start3A_692, %dma_start3A_693] : memref<87x128xf32, #tpu.memory_space<vmem_shared>> -> memref<87x128xf32, #tpu.memory_space<vmem_shared>>
        tpu.enqueue_indirect_dma source(%dma_start3A_694 : memref<87x128xf32, #tpu.memory_space<vmem_shared>>) target(%dma_start3A_688 : memref<128x128xf32, #tpu.memory_space<vmem>>) offsets(%dma_start3A_691 : memref<128xi32, #tpu.memory_space<vmem>>) semaphore(%arg10 : memref<!tpu.dma_semaphore, #tpu.memory_space<semaphore_mem>>)
      } else {
      }
      %mul3A_574 = arith.constant 7 : i32
      %mul3A_575 = arith.muli %scan3A_276, %mul3A_574 : i32
      %add3A_576 = arith.constant 3 : i32
      %add3A_577 = arith.addi %mul3A_575, %add3A_576 : i32
      %add3A_578 = arith.addi %mul3A_2, %add3A_577 : i32
      %mul3A_579 = arith.constant 128 : i32
      %mul3A_580 = arith.muli %add3A_578, %mul3A_579 : i32
      %dma_wait3A_581 = arith.constant 3 : i32
      %dma_wait3A_582 = arith.constant 0 : i32
      %dma_wait3A_583 = arith.constant 0 : i32
      %dma_wait3A_584 = tpu.memref_slice %arg7[%dma_wait3A_581, %dma_wait3A_582, %dma_wait3A_583] : memref<7x128x128xf32, #tpu.memory_space<vmem>> -> memref<1x128x128xf32, #tpu.memory_space<vmem>>
      %dma_wait3A_585 = tpu.memref_squeeze %dma_wait3A_584 : memref<1x128x128xf32, #tpu.memory_space<vmem>> -> memref<128x128xf32, #tpu.memory_space<vmem>>
      %dma_wait3A_586 = arith.constant 0 : i32
      %dma_wait3A_587 = tpu.memref_slice %arg4[%mul3A_580, %dma_wait3A_586] : memref<131072x128xf32, #tpu.memory_space<hbm>> -> memref<128x128xf32, #tpu.memory_space<hbm>>
      %dma_wait3A_588 = arith.constant 0 : i32
      %dma_wait3A_589 = tpu.memref_slice %arg4[%mul3A_580, %dma_wait3A_588] : memref<131072x128xf32, #tpu.memory_space<hbm>> -> memref<128x128xf32, #tpu.memory_space<hbm>>
      %dma_wait3A_590 = arith.constant 0 : i32
      %dma_wait3A_591 = arith.constant 0 : i32
      %dma_wait3A_592 = tpu.memref_slice %arg7[%dma_wait3A_581, %dma_wait3A_590, %dma_wait3A_591] : memref<7x128x128xf32, #tpu.memory_space<vmem>> -> memref<1x128x128xf32, #tpu.memory_space<vmem>>
      %dma_wait3A_593 = tpu.memref_squeeze %dma_wait3A_592 : memref<1x128x128xf32, #tpu.memory_space<vmem>> -> memref<128x128xf32, #tpu.memory_space<vmem>>
      tpu.wait_dma2 semaphore(%arg18 : memref<!tpu.dma_semaphore, #tpu.memory_space<semaphore_mem>>) src(%dma_wait3A_593 : memref<128x128xf32, #tpu.memory_space<vmem>>) dst(%dma_wait3A_589 : memref<128x128xf32, #tpu.memory_space<hbm>>)
      %add3A_594 = arith.constant 7 : i32
      %add3A_595 = arith.addi %add3A_577, %add3A_594 : i32
      %lt3A_596 = arith.constant 32 : i32
      %lt3A_597 = arith.cmpi slt, %add3A_595, %lt3A_596 : i32
      %convert_element_type3A_598 = arith.extui %lt3A_597 : i1 to i32
      %cond3A_599 = arith.constant 0 : i32
      %cond3A_600 = arith.cmpi ne, %convert_element_type3A_598, %cond3A_599 : i32
      scf.if %cond3A_600 {
        %add3A_682 = arith.constant 7 : i32
        %add3A_683 = arith.addi %add3A_577, %add3A_682 : i32
        %dma_start3A_684 = arith.constant 3 : i32
        %dma_start3A_685 = arith.constant 0 : i32
        %dma_start3A_686 = arith.constant 0 : i32
        %dma_start3A_687 = tpu.memref_slice %arg7[%dma_start3A_684, %dma_start3A_685, %dma_start3A_686] : memref<7x128x128xf32, #tpu.memory_space<vmem>> -> memref<1x128x128xf32, #tpu.memory_space<vmem>>
        %dma_start3A_688 = tpu.memref_squeeze %dma_start3A_687 : memref<1x128x128xf32, #tpu.memory_space<vmem>> -> memref<128x128xf32, #tpu.memory_space<vmem>>
        %dma_start3A_689 = arith.constant 0 : i32
        %dma_start3A_690 = tpu.memref_slice %arg5[%add3A_683, %dma_start3A_689] : memref<32x128xi32, #tpu.memory_space<vmem>> -> memref<1x128xi32, #tpu.memory_space<vmem>>
        %dma_start3A_691 = tpu.memref_squeeze %dma_start3A_690 : memref<1x128xi32, #tpu.memory_space<vmem>> -> memref<128xi32, #tpu.memory_space<vmem>>
        %dma_start3A_692 = arith.constant 0 : i32
        %dma_start3A_693 = arith.constant 0 : i32
        %dma_start3A_694 = tpu.memref_slice %arg6[%dma_start3A_692, %dma_start3A_693] : memref<87x128xf32, #tpu.memory_space<vmem_shared>> -> memref<87x128xf32, #tpu.memory_space<vmem_shared>>
        tpu.enqueue_indirect_dma source(%dma_start3A_694 : memref<87x128xf32, #tpu.memory_space<vmem_shared>>) target(%dma_start3A_688 : memref<128x128xf32, #tpu.memory_space<vmem>>) offsets(%dma_start3A_691 : memref<128xi32, #tpu.memory_space<vmem>>) semaphore(%arg11 : memref<!tpu.dma_semaphore, #tpu.memory_space<semaphore_mem>>)
      } else {
      }
      %mul3A_601 = arith.constant 7 : i32
      %mul3A_602 = arith.muli %scan3A_276, %mul3A_601 : i32
      %add3A_603 = arith.constant 4 : i32
      %add3A_604 = arith.addi %mul3A_602, %add3A_603 : i32
      %add3A_605 = arith.addi %mul3A_2, %add3A_604 : i32
      %mul3A_606 = arith.constant 128 : i32
      %mul3A_607 = arith.muli %add3A_605, %mul3A_606 : i32
      %dma_wait3A_608 = arith.constant 4 : i32
      %dma_wait3A_609 = arith.constant 0 : i32
      %dma_wait3A_610 = arith.constant 0 : i32
      %dma_wait3A_611 = tpu.memref_slice %arg7[%dma_wait3A_608, %dma_wait3A_609, %dma_wait3A_610] : memref<7x128x128xf32, #tpu.memory_space<vmem>> -> memref<1x128x128xf32, #tpu.memory_space<vmem>>
      %dma_wait3A_612 = tpu.memref_squeeze %dma_wait3A_611 : memref<1x128x128xf32, #tpu.memory_space<vmem>> -> memref<128x128xf32, #tpu.memory_space<vmem>>
      %dma_wait3A_613 = arith.constant 0 : i32
      %dma_wait3A_614 = tpu.memref_slice %arg4[%mul3A_607, %dma_wait3A_613] : memref<131072x128xf32, #tpu.memory_space<hbm>> -> memref<128x128xf32, #tpu.memory_space<hbm>>
      %dma_wait3A_615 = arith.constant 0 : i32
      %dma_wait3A_616 = tpu.memref_slice %arg4[%mul3A_607, %dma_wait3A_615] : memref<131072x128xf32, #tpu.memory_space<hbm>> -> memref<128x128xf32, #tpu.memory_space<hbm>>
      %dma_wait3A_617 = arith.constant 0 : i32
      %dma_wait3A_618 = arith.constant 0 : i32
      %dma_wait3A_619 = tpu.memref_slice %arg7[%dma_wait3A_608, %dma_wait3A_617, %dma_wait3A_618] : memref<7x128x128xf32, #tpu.memory_space<vmem>> -> memref<1x128x128xf32, #tpu.memory_space<vmem>>
      %dma_wait3A_620 = tpu.memref_squeeze %dma_wait3A_619 : memref<1x128x128xf32, #tpu.memory_space<vmem>> -> memref<128x128xf32, #tpu.memory_space<vmem>>
      tpu.wait_dma2 semaphore(%arg19 : memref<!tpu.dma_semaphore, #tpu.memory_space<semaphore_mem>>) src(%dma_wait3A_620 : memref<128x128xf32, #tpu.memory_space<vmem>>) dst(%dma_wait3A_616 : memref<128x128xf32, #tpu.memory_space<hbm>>)
      %add3A_621 = arith.constant 7 : i32
      %add3A_622 = arith.addi %add3A_604, %add3A_621 : i32
      %lt3A_623 = arith.constant 32 : i32
      %lt3A_624 = arith.cmpi slt, %add3A_622, %lt3A_623 : i32
      %convert_element_type3A_625 = arith.extui %lt3A_624 : i1 to i32
      %cond3A_626 = arith.constant 0 : i32
      %cond3A_627 = arith.cmpi ne, %convert_element_type3A_625, %cond3A_626 : i32
      scf.if %cond3A_627 {
        %add3A_682 = arith.constant 7 : i32
        %add3A_683 = arith.addi %add3A_604, %add3A_682 : i32
        %dma_start3A_684 = arith.constant 4 : i32
        %dma_start3A_685 = arith.constant 0 : i32
        %dma_start3A_686 = arith.constant 0 : i32
        %dma_start3A_687 = tpu.memref_slice %arg7[%dma_start3A_684, %dma_start3A_685, %dma_start3A_686] : memref<7x128x128xf32, #tpu.memory_space<vmem>> -> memref<1x128x128xf32, #tpu.memory_space<vmem>>
        %dma_start3A_688 = tpu.memref_squeeze %dma_start3A_687 : memref<1x128x128xf32, #tpu.memory_space<vmem>> -> memref<128x128xf32, #tpu.memory_space<vmem>>
        %dma_start3A_689 = arith.constant 0 : i32
        %dma_start3A_690 = tpu.memref_slice %arg5[%add3A_683, %dma_start3A_689] : memref<32x128xi32, #tpu.memory_space<vmem>> -> memref<1x128xi32, #tpu.memory_space<vmem>>
        %dma_start3A_691 = tpu.memref_squeeze %dma_start3A_690 : memref<1x128xi32, #tpu.memory_space<vmem>> -> memref<128xi32, #tpu.memory_space<vmem>>
        %dma_start3A_692 = arith.constant 0 : i32
        %dma_start3A_693 = arith.constant 0 : i32
        %dma_start3A_694 = tpu.memref_slice %arg6[%dma_start3A_692, %dma_start3A_693] : memref<87x128xf32, #tpu.memory_space<vmem_shared>> -> memref<87x128xf32, #tpu.memory_space<vmem_shared>>
        tpu.enqueue_indirect_dma source(%dma_start3A_694 : memref<87x128xf32, #tpu.memory_space<vmem_shared>>) target(%dma_start3A_688 : memref<128x128xf32, #tpu.memory_space<vmem>>) offsets(%dma_start3A_691 : memref<128xi32, #tpu.memory_space<vmem>>) semaphore(%arg12 : memref<!tpu.dma_semaphore, #tpu.memory_space<semaphore_mem>>)
      } else {
      }
      %mul3A_628 = arith.constant 7 : i32
      %mul3A_629 = arith.muli %scan3A_276, %mul3A_628 : i32
      %add3A_630 = arith.constant 5 : i32
      %add3A_631 = arith.addi %mul3A_629, %add3A_630 : i32
      %add3A_632 = arith.addi %mul3A_2, %add3A_631 : i32
      %mul3A_633 = arith.constant 128 : i32
      %mul3A_634 = arith.muli %add3A_632, %mul3A_633 : i32
      %dma_wait3A_635 = arith.constant 5 : i32
      %dma_wait3A_636 = arith.constant 0 : i32
      %dma_wait3A_637 = arith.constant 0 : i32
      %dma_wait3A_638 = tpu.memref_slice %arg7[%dma_wait3A_635, %dma_wait3A_636, %dma_wait3A_637] : memref<7x128x128xf32, #tpu.memory_space<vmem>> -> memref<1x128x128xf32, #tpu.memory_space<vmem>>
      %dma_wait3A_639 = tpu.memref_squeeze %dma_wait3A_638 : memref<1x128x128xf32, #tpu.memory_space<vmem>> -> memref<128x128xf32, #tpu.memory_space<vmem>>
      %dma_wait3A_640 = arith.constant 0 : i32
      %dma_wait3A_641 = tpu.memref_slice %arg4[%mul3A_634, %dma_wait3A_640] : memref<131072x128xf32, #tpu.memory_space<hbm>> -> memref<128x128xf32, #tpu.memory_space<hbm>>
      %dma_wait3A_642 = arith.constant 0 : i32
      %dma_wait3A_643 = tpu.memref_slice %arg4[%mul3A_634, %dma_wait3A_642] : memref<131072x128xf32, #tpu.memory_space<hbm>> -> memref<128x128xf32, #tpu.memory_space<hbm>>
      %dma_wait3A_644 = arith.constant 0 : i32
      %dma_wait3A_645 = arith.constant 0 : i32
      %dma_wait3A_646 = tpu.memref_slice %arg7[%dma_wait3A_635, %dma_wait3A_644, %dma_wait3A_645] : memref<7x128x128xf32, #tpu.memory_space<vmem>> -> memref<1x128x128xf32, #tpu.memory_space<vmem>>
      %dma_wait3A_647 = tpu.memref_squeeze %dma_wait3A_646 : memref<1x128x128xf32, #tpu.memory_space<vmem>> -> memref<128x128xf32, #tpu.memory_space<vmem>>
      tpu.wait_dma2 semaphore(%arg20 : memref<!tpu.dma_semaphore, #tpu.memory_space<semaphore_mem>>) src(%dma_wait3A_647 : memref<128x128xf32, #tpu.memory_space<vmem>>) dst(%dma_wait3A_643 : memref<128x128xf32, #tpu.memory_space<hbm>>)
      %add3A_648 = arith.constant 7 : i32
      %add3A_649 = arith.addi %add3A_631, %add3A_648 : i32
      %lt3A_650 = arith.constant 32 : i32
      %lt3A_651 = arith.cmpi slt, %add3A_649, %lt3A_650 : i32
      %convert_element_type3A_652 = arith.extui %lt3A_651 : i1 to i32
      %cond3A_653 = arith.constant 0 : i32
      %cond3A_654 = arith.cmpi ne, %convert_element_type3A_652, %cond3A_653 : i32
      scf.if %cond3A_654 {
        %add3A_682 = arith.constant 7 : i32
        %add3A_683 = arith.addi %add3A_631, %add3A_682 : i32
        %dma_start3A_684 = arith.constant 5 : i32
        %dma_start3A_685 = arith.constant 0 : i32
        %dma_start3A_686 = arith.constant 0 : i32
        %dma_start3A_687 = tpu.memref_slice %arg7[%dma_start3A_684, %dma_start3A_685, %dma_start3A_686] : memref<7x128x128xf32, #tpu.memory_space<vmem>> -> memref<1x128x128xf32, #tpu.memory_space<vmem>>
        %dma_start3A_688 = tpu.memref_squeeze %dma_start3A_687 : memref<1x128x128xf32, #tpu.memory_space<vmem>> -> memref<128x128xf32, #tpu.memory_space<vmem>>
        %dma_start3A_689 = arith.constant 0 : i32
        %dma_start3A_690 = tpu.memref_slice %arg5[%add3A_683, %dma_start3A_689] : memref<32x128xi32, #tpu.memory_space<vmem>> -> memref<1x128xi32, #tpu.memory_space<vmem>>
        %dma_start3A_691 = tpu.memref_squeeze %dma_start3A_690 : memref<1x128xi32, #tpu.memory_space<vmem>> -> memref<128xi32, #tpu.memory_space<vmem>>
        %dma_start3A_692 = arith.constant 0 : i32
        %dma_start3A_693 = arith.constant 0 : i32
        %dma_start3A_694 = tpu.memref_slice %arg6[%dma_start3A_692, %dma_start3A_693] : memref<87x128xf32, #tpu.memory_space<vmem_shared>> -> memref<87x128xf32, #tpu.memory_space<vmem_shared>>
        tpu.enqueue_indirect_dma source(%dma_start3A_694 : memref<87x128xf32, #tpu.memory_space<vmem_shared>>) target(%dma_start3A_688 : memref<128x128xf32, #tpu.memory_space<vmem>>) offsets(%dma_start3A_691 : memref<128xi32, #tpu.memory_space<vmem>>) semaphore(%arg13 : memref<!tpu.dma_semaphore, #tpu.memory_space<semaphore_mem>>)
      } else {
      }
      %mul3A_655 = arith.constant 7 : i32
      %mul3A_656 = arith.muli %scan3A_276, %mul3A_655 : i32
      %add3A_657 = arith.constant 6 : i32
      %add3A_658 = arith.addi %mul3A_656, %add3A_657 : i32
      %add3A_659 = arith.addi %mul3A_2, %add3A_658 : i32
      %mul3A_660 = arith.constant 128 : i32
      %mul3A_661 = arith.muli %add3A_659, %mul3A_660 : i32
      %dma_wait3A_662 = arith.constant 6 : i32
      %dma_wait3A_663 = arith.constant 0 : i32
      %dma_wait3A_664 = arith.constant 0 : i32
      %dma_wait3A_665 = tpu.memref_slice %arg7[%dma_wait3A_662, %dma_wait3A_663, %dma_wait3A_664] : memref<7x128x128xf32, #tpu.memory_space<vmem>> -> memref<1x128x128xf32, #tpu.memory_space<vmem>>
      %dma_wait3A_666 = tpu.memref_squeeze %dma_wait3A_665 : memref<1x128x128xf32, #tpu.memory_space<vmem>> -> memref<128x128xf32, #tpu.memory_space<vmem>>
      %dma_wait3A_667 = arith.constant 0 : i32
      %dma_wait3A_668 = tpu.memref_slice %arg4[%mul3A_661, %dma_wait3A_667] : memref<131072x128xf32, #tpu.memory_space<hbm>> -> memref<128x128xf32, #tpu.memory_space<hbm>>
      %dma_wait3A_669 = arith.constant 0 : i32
      %dma_wait3A_670 = tpu.memref_slice %arg4[%mul3A_661, %dma_wait3A_669] : memref<131072x128xf32, #tpu.memory_space<hbm>> -> memref<128x128xf32, #tpu.memory_space<hbm>>
      %dma_wait3A_671 = arith.constant 0 : i32
      %dma_wait3A_672 = arith.constant 0 : i32
      %dma_wait3A_673 = tpu.memref_slice %arg7[%dma_wait3A_662, %dma_wait3A_671, %dma_wait3A_672] : memref<7x128x128xf32, #tpu.memory_space<vmem>> -> memref<1x128x128xf32, #tpu.memory_space<vmem>>
      %dma_wait3A_674 = tpu.memref_squeeze %dma_wait3A_673 : memref<1x128x128xf32, #tpu.memory_space<vmem>> -> memref<128x128xf32, #tpu.memory_space<vmem>>
      tpu.wait_dma2 semaphore(%arg21 : memref<!tpu.dma_semaphore, #tpu.memory_space<semaphore_mem>>) src(%dma_wait3A_674 : memref<128x128xf32, #tpu.memory_space<vmem>>) dst(%dma_wait3A_670 : memref<128x128xf32, #tpu.memory_space<hbm>>)
      %add3A_675 = arith.constant 7 : i32
      %add3A_676 = arith.addi %add3A_658, %add3A_675 : i32
      %lt3A_677 = arith.constant 32 : i32
      %lt3A_678 = arith.cmpi slt, %add3A_676, %lt3A_677 : i32
      %convert_element_type3A_679 = arith.extui %lt3A_678 : i1 to i32
      %cond3A_680 = arith.constant 0 : i32
      %cond3A_681 = arith.cmpi ne, %convert_element_type3A_679, %cond3A_680 : i32
      scf.if %cond3A_681 {
        %add3A_682 = arith.constant 7 : i32
        %add3A_683 = arith.addi %add3A_658, %add3A_682 : i32
        %dma_start3A_684 = arith.constant 6 : i32
        %dma_start3A_685 = arith.constant 0 : i32
        %dma_start3A_686 = arith.constant 0 : i32
        %dma_start3A_687 = tpu.memref_slice %arg7[%dma_start3A_684, %dma_start3A_685, %dma_start3A_686] : memref<7x128x128xf32, #tpu.memory_space<vmem>> -> memref<1x128x128xf32, #tpu.memory_space<vmem>>
        %dma_start3A_688 = tpu.memref_squeeze %dma_start3A_687 : memref<1x128x128xf32, #tpu.memory_space<vmem>> -> memref<128x128xf32, #tpu.memory_space<vmem>>
        %dma_start3A_689 = arith.constant 0 : i32
        %dma_start3A_690 = tpu.memref_slice %arg5[%add3A_683, %dma_start3A_689] : memref<32x128xi32, #tpu.memory_space<vmem>> -> memref<1x128xi32, #tpu.memory_space<vmem>>
        %dma_start3A_691 = tpu.memref_squeeze %dma_start3A_690 : memref<1x128xi32, #tpu.memory_space<vmem>> -> memref<128xi32, #tpu.memory_space<vmem>>
        %dma_start3A_692 = arith.constant 0 : i32
        %dma_start3A_693 = arith.constant 0 : i32
        %dma_start3A_694 = tpu.memref_slice %arg6[%dma_start3A_692, %dma_start3A_693] : memref<87x128xf32, #tpu.memory_space<vmem_shared>> -> memref<87x128xf32, #tpu.memory_space<vmem_shared>>
        tpu.enqueue_indirect_dma source(%dma_start3A_694 : memref<87x128xf32, #tpu.memory_space<vmem_shared>>) target(%dma_start3A_688 : memref<128x128xf32, #tpu.memory_space<vmem>>) offsets(%dma_start3A_691 : memref<128xi32, #tpu.memory_space<vmem>>) semaphore(%arg14 : memref<!tpu.dma_semaphore, #tpu.memory_space<semaphore_mem>>)
      } else {
      }
    }
    %scan3A_92 = arith.constant 4 : i32
    %dma_wait3A = arith.constant 28 : i32
    %dma_wait3A_93 = arith.constant 0 : i32
    %dma_wait3A_94 = arith.constant 0 : i32
    %dma_wait3A_95 = arith.constant 0 : i32
    %dma_wait3A_96 = tpu.memref_slice %arg7[%dma_wait3A_93, %dma_wait3A_94, %dma_wait3A_95] : memref<7x128x128xf32, #tpu.memory_space<vmem>> -> memref<1x128x128xf32, #tpu.memory_space<vmem>>
    %dma_wait3A_97 = tpu.memref_squeeze %dma_wait3A_96 : memref<1x128x128xf32, #tpu.memory_space<vmem>> -> memref<128x128xf32, #tpu.memory_space<vmem>>
    %dma_wait3A_98 = arith.constant 0 : i32
    %dma_wait3A_99 = tpu.memref_slice %arg5[%dma_wait3A, %dma_wait3A_98] : memref<32x128xi32, #tpu.memory_space<vmem>> -> memref<1x128xi32, #tpu.memory_space<vmem>>
    %dma_wait3A_100 = tpu.memref_squeeze %dma_wait3A_99 : memref<1x128xi32, #tpu.memory_space<vmem>> -> memref<128xi32, #tpu.memory_space<vmem>>
    %dma_wait3A_101 = arith.constant 0 : i32
    %dma_wait3A_102 = arith.constant 0 : i32
    %dma_wait3A_103 = tpu.memref_slice %arg6[%dma_wait3A_101, %dma_wait3A_102] : memref<87x128xf32, #tpu.memory_space<vmem_shared>> -> memref<87x128xf32, #tpu.memory_space<vmem_shared>>
    tpu.wait_indirect_dma semaphore(%arg8 : memref<!tpu.dma_semaphore, #tpu.memory_space<semaphore_mem>>) src(%dma_wait3A_103 : memref<87x128xf32, #tpu.memory_space<vmem_shared>>) dst(%dma_wait3A_97 : memref<128x128xf32, #tpu.memory_space<vmem>>)
    %add3A_104 = arith.constant 28 : i32
    %add3A_105 = arith.addi %mul3A_2, %add3A_104 : i32
    %mul3A_106 = arith.constant 128 : i32
    %mul3A_107 = arith.muli %add3A_105, %mul3A_106 : i32
    %dma_start3A_108 = arith.constant 0 : i32
    %dma_start3A_109 = arith.constant 0 : i32
    %dma_start3A_110 = arith.constant 0 : i32
    %dma_start3A_111 = tpu.memref_slice %arg7[%dma_start3A_108, %dma_start3A_109, %dma_start3A_110] : memref<7x128x128xf32, #tpu.memory_space<vmem>> -> memref<1x128x128xf32, #tpu.memory_space<vmem>>
    %dma_start3A_112 = tpu.memref_squeeze %dma_start3A_111 : memref<1x128x128xf32, #tpu.memory_space<vmem>> -> memref<128x128xf32, #tpu.memory_space<vmem>>
    %dma_start3A_113 = arith.constant 0 : i32
    %dma_start3A_114 = tpu.memref_slice %arg4[%mul3A_107, %dma_start3A_113] : memref<131072x128xf32, #tpu.memory_space<hbm>> -> memref<128x128xf32, #tpu.memory_space<hbm>>
    %dma_start3A_115 = arith.constant 0 : i32
    %dma_start3A_116 = tpu.memref_slice %arg4[%mul3A_107, %dma_start3A_115] : memref<131072x128xf32, #tpu.memory_space<hbm>> -> memref<128x128xf32, #tpu.memory_space<hbm>>
    %dma_start3A_117 = arith.constant 0 : i32
    %dma_start3A_118 = arith.constant 0 : i32
    %dma_start3A_119 = tpu.memref_slice %arg7[%dma_start3A_108, %dma_start3A_117, %dma_start3A_118] : memref<7x128x128xf32, #tpu.memory_space<vmem>> -> memref<1x128x128xf32, #tpu.memory_space<vmem>>
    %dma_start3A_120 = tpu.memref_squeeze %dma_start3A_119 : memref<1x128x128xf32, #tpu.memory_space<vmem>> -> memref<128x128xf32, #tpu.memory_space<vmem>>
    tpu.enqueue_dma source(%dma_start3A_120 : memref<128x128xf32, #tpu.memory_space<vmem>>) target(%dma_start3A_116 : memref<128x128xf32, #tpu.memory_space<hbm>>) target_semaphore(%arg15 : memref<!tpu.dma_semaphore, #tpu.memory_space<semaphore_mem>>)
    %dma_wait3A_121 = arith.constant 29 : i32
    %dma_wait3A_122 = arith.constant 1 : i32
    %dma_wait3A_123 = arith.constant 0 : i32
    %dma_wait3A_124 = arith.constant 0 : i32
    %dma_wait3A_125 = tpu.memref_slice %arg7[%dma_wait3A_122, %dma_wait3A_123, %dma_wait3A_124] : memref<7x128x128xf32, #tpu.memory_space<vmem>> -> memref<1x128x128xf32, #tpu.memory_space<vmem>>
    %dma_wait3A_126 = tpu.memref_squeeze %dma_wait3A_125 : memref<1x128x128xf32, #tpu.memory_space<vmem>> -> memref<128x128xf32, #tpu.memory_space<vmem>>
    %dma_wait3A_127 = arith.constant 0 : i32
    %dma_wait3A_128 = tpu.memref_slice %arg5[%dma_wait3A_121, %dma_wait3A_127] : memref<32x128xi32, #tpu.memory_space<vmem>> -> memref<1x128xi32, #tpu.memory_space<vmem>>
    %dma_wait3A_129 = tpu.memref_squeeze %dma_wait3A_128 : memref<1x128xi32, #tpu.memory_space<vmem>> -> memref<128xi32, #tpu.memory_space<vmem>>
    %dma_wait3A_130 = arith.constant 0 : i32
    %dma_wait3A_131 = arith.constant 0 : i32
    %dma_wait3A_132 = tpu.memref_slice %arg6[%dma_wait3A_130, %dma_wait3A_131] : memref<87x128xf32, #tpu.memory_space<vmem_shared>> -> memref<87x128xf32, #tpu.memory_space<vmem_shared>>
    tpu.wait_indirect_dma semaphore(%arg9 : memref<!tpu.dma_semaphore, #tpu.memory_space<semaphore_mem>>) src(%dma_wait3A_132 : memref<87x128xf32, #tpu.memory_space<vmem_shared>>) dst(%dma_wait3A_126 : memref<128x128xf32, #tpu.memory_space<vmem>>)
    %add3A_133 = arith.constant 29 : i32
    %add3A_134 = arith.addi %mul3A_2, %add3A_133 : i32
    %mul3A_135 = arith.constant 128 : i32
    %mul3A_136 = arith.muli %add3A_134, %mul3A_135 : i32
    %dma_start3A_137 = arith.constant 1 : i32
    %dma_start3A_138 = arith.constant 0 : i32
    %dma_start3A_139 = arith.constant 0 : i32
    %dma_start3A_140 = tpu.memref_slice %arg7[%dma_start3A_137, %dma_start3A_138, %dma_start3A_139] : memref<7x128x128xf32, #tpu.memory_space<vmem>> -> memref<1x128x128xf32, #tpu.memory_space<vmem>>
    %dma_start3A_141 = tpu.memref_squeeze %dma_start3A_140 : memref<1x128x128xf32, #tpu.memory_space<vmem>> -> memref<128x128xf32, #tpu.memory_space<vmem>>
    %dma_start3A_142 = arith.constant 0 : i32
    %dma_start3A_143 = tpu.memref_slice %arg4[%mul3A_136, %dma_start3A_142] : memref<131072x128xf32, #tpu.memory_space<hbm>> -> memref<128x128xf32, #tpu.memory_space<hbm>>
    %dma_start3A_144 = arith.constant 0 : i32
    %dma_start3A_145 = tpu.memref_slice %arg4[%mul3A_136, %dma_start3A_144] : memref<131072x128xf32, #tpu.memory_space<hbm>> -> memref<128x128xf32, #tpu.memory_space<hbm>>
    %dma_start3A_146 = arith.constant 0 : i32
    %dma_start3A_147 = arith.constant 0 : i32
    %dma_start3A_148 = tpu.memref_slice %arg7[%dma_start3A_137, %dma_start3A_146, %dma_start3A_147] : memref<7x128x128xf32, #tpu.memory_space<vmem>> -> memref<1x128x128xf32, #tpu.memory_space<vmem>>
    %dma_start3A_149 = tpu.memref_squeeze %dma_start3A_148 : memref<1x128x128xf32, #tpu.memory_space<vmem>> -> memref<128x128xf32, #tpu.memory_space<vmem>>
    tpu.enqueue_dma source(%dma_start3A_149 : memref<128x128xf32, #tpu.memory_space<vmem>>) target(%dma_start3A_145 : memref<128x128xf32, #tpu.memory_space<hbm>>) target_semaphore(%arg16 : memref<!tpu.dma_semaphore, #tpu.memory_space<semaphore_mem>>)
    %dma_wait3A_150 = arith.constant 30 : i32
    %dma_wait3A_151 = arith.constant 2 : i32
    %dma_wait3A_152 = arith.constant 0 : i32
    %dma_wait3A_153 = arith.constant 0 : i32
    %dma_wait3A_154 = tpu.memref_slice %arg7[%dma_wait3A_151, %dma_wait3A_152, %dma_wait3A_153] : memref<7x128x128xf32, #tpu.memory_space<vmem>> -> memref<1x128x128xf32, #tpu.memory_space<vmem>>
    %dma_wait3A_155 = tpu.memref_squeeze %dma_wait3A_154 : memref<1x128x128xf32, #tpu.memory_space<vmem>> -> memref<128x128xf32, #tpu.memory_space<vmem>>
    %dma_wait3A_156 = arith.constant 0 : i32
    %dma_wait3A_157 = tpu.memref_slice %arg5[%dma_wait3A_150, %dma_wait3A_156] : memref<32x128xi32, #tpu.memory_space<vmem>> -> memref<1x128xi32, #tpu.memory_space<vmem>>
    %dma_wait3A_158 = tpu.memref_squeeze %dma_wait3A_157 : memref<1x128xi32, #tpu.memory_space<vmem>> -> memref<128xi32, #tpu.memory_space<vmem>>
    %dma_wait3A_159 = arith.constant 0 : i32
    %dma_wait3A_160 = arith.constant 0 : i32
    %dma_wait3A_161 = tpu.memref_slice %arg6[%dma_wait3A_159, %dma_wait3A_160] : memref<87x128xf32, #tpu.memory_space<vmem_shared>> -> memref<87x128xf32, #tpu.memory_space<vmem_shared>>
    tpu.wait_indirect_dma semaphore(%arg10 : memref<!tpu.dma_semaphore, #tpu.memory_space<semaphore_mem>>) src(%dma_wait3A_161 : memref<87x128xf32, #tpu.memory_space<vmem_shared>>) dst(%dma_wait3A_155 : memref<128x128xf32, #tpu.memory_space<vmem>>)
    %add3A_162 = arith.constant 30 : i32
    %add3A_163 = arith.addi %mul3A_2, %add3A_162 : i32
    %mul3A_164 = arith.constant 128 : i32
    %mul3A_165 = arith.muli %add3A_163, %mul3A_164 : i32
    %dma_start3A_166 = arith.constant 2 : i32
    %dma_start3A_167 = arith.constant 0 : i32
    %dma_start3A_168 = arith.constant 0 : i32
    %dma_start3A_169 = tpu.memref_slice %arg7[%dma_start3A_166, %dma_start3A_167, %dma_start3A_168] : memref<7x128x128xf32, #tpu.memory_space<vmem>> -> memref<1x128x128xf32, #tpu.memory_space<vmem>>
    %dma_start3A_170 = tpu.memref_squeeze %dma_start3A_169 : memref<1x128x128xf32, #tpu.memory_space<vmem>> -> memref<128x128xf32, #tpu.memory_space<vmem>>
    %dma_start3A_171 = arith.constant 0 : i32
    %dma_start3A_172 = tpu.memref_slice %arg4[%mul3A_165, %dma_start3A_171] : memref<131072x128xf32, #tpu.memory_space<hbm>> -> memref<128x128xf32, #tpu.memory_space<hbm>>
    %dma_start3A_173 = arith.constant 0 : i32
    %dma_start3A_174 = tpu.memref_slice %arg4[%mul3A_165, %dma_start3A_173] : memref<131072x128xf32, #tpu.memory_space<hbm>> -> memref<128x128xf32, #tpu.memory_space<hbm>>
    %dma_start3A_175 = arith.constant 0 : i32
    %dma_start3A_176 = arith.constant 0 : i32
    %dma_start3A_177 = tpu.memref_slice %arg7[%dma_start3A_166, %dma_start3A_175, %dma_start3A_176] : memref<7x128x128xf32, #tpu.memory_space<vmem>> -> memref<1x128x128xf32, #tpu.memory_space<vmem>>
    %dma_start3A_178 = tpu.memref_squeeze %dma_start3A_177 : memref<1x128x128xf32, #tpu.memory_space<vmem>> -> memref<128x128xf32, #tpu.memory_space<vmem>>
    tpu.enqueue_dma source(%dma_start3A_178 : memref<128x128xf32, #tpu.memory_space<vmem>>) target(%dma_start3A_174 : memref<128x128xf32, #tpu.memory_space<hbm>>) target_semaphore(%arg17 : memref<!tpu.dma_semaphore, #tpu.memory_space<semaphore_mem>>)
    %dma_wait3A_179 = arith.constant 31 : i32
    %dma_wait3A_180 = arith.constant 3 : i32
    %dma_wait3A_181 = arith.constant 0 : i32
    %dma_wait3A_182 = arith.constant 0 : i32
    %dma_wait3A_183 = tpu.memref_slice %arg7[%dma_wait3A_180, %dma_wait3A_181, %dma_wait3A_182] : memref<7x128x128xf32, #tpu.memory_space<vmem>> -> memref<1x128x128xf32, #tpu.memory_space<vmem>>
    %dma_wait3A_184 = tpu.memref_squeeze %dma_wait3A_183 : memref<1x128x128xf32, #tpu.memory_space<vmem>> -> memref<128x128xf32, #tpu.memory_space<vmem>>
    %dma_wait3A_185 = arith.constant 0 : i32
    %dma_wait3A_186 = tpu.memref_slice %arg5[%dma_wait3A_179, %dma_wait3A_185] : memref<32x128xi32, #tpu.memory_space<vmem>> -> memref<1x128xi32, #tpu.memory_space<vmem>>
    %dma_wait3A_187 = tpu.memref_squeeze %dma_wait3A_186 : memref<1x128xi32, #tpu.memory_space<vmem>> -> memref<128xi32, #tpu.memory_space<vmem>>
    %dma_wait3A_188 = arith.constant 0 : i32
    %dma_wait3A_189 = arith.constant 0 : i32
    %dma_wait3A_190 = tpu.memref_slice %arg6[%dma_wait3A_188, %dma_wait3A_189] : memref<87x128xf32, #tpu.memory_space<vmem_shared>> -> memref<87x128xf32, #tpu.memory_space<vmem_shared>>
    tpu.wait_indirect_dma semaphore(%arg11 : memref<!tpu.dma_semaphore, #tpu.memory_space<semaphore_mem>>) src(%dma_wait3A_190 : memref<87x128xf32, #tpu.memory_space<vmem_shared>>) dst(%dma_wait3A_184 : memref<128x128xf32, #tpu.memory_space<vmem>>)
    %add3A_191 = arith.constant 31 : i32
    %add3A_192 = arith.addi %mul3A_2, %add3A_191 : i32
    %mul3A_193 = arith.constant 128 : i32
    %mul3A_194 = arith.muli %add3A_192, %mul3A_193 : i32
    %dma_start3A_195 = arith.constant 3 : i32
    %dma_start3A_196 = arith.constant 0 : i32
    %dma_start3A_197 = arith.constant 0 : i32
    %dma_start3A_198 = tpu.memref_slice %arg7[%dma_start3A_195, %dma_start3A_196, %dma_start3A_197] : memref<7x128x128xf32, #tpu.memory_space<vmem>> -> memref<1x128x128xf32, #tpu.memory_space<vmem>>
    %dma_start3A_199 = tpu.memref_squeeze %dma_start3A_198 : memref<1x128x128xf32, #tpu.memory_space<vmem>> -> memref<128x128xf32, #tpu.memory_space<vmem>>
    %dma_start3A_200 = arith.constant 0 : i32
    %dma_start3A_201 = tpu.memref_slice %arg4[%mul3A_194, %dma_start3A_200] : memref<131072x128xf32, #tpu.memory_space<hbm>> -> memref<128x128xf32, #tpu.memory_space<hbm>>
    %dma_start3A_202 = arith.constant 0 : i32
    %dma_start3A_203 = tpu.memref_slice %arg4[%mul3A_194, %dma_start3A_202] : memref<131072x128xf32, #tpu.memory_space<hbm>> -> memref<128x128xf32, #tpu.memory_space<hbm>>
    %dma_start3A_204 = arith.constant 0 : i32
    %dma_start3A_205 = arith.constant 0 : i32
    %dma_start3A_206 = tpu.memref_slice %arg7[%dma_start3A_195, %dma_start3A_204, %dma_start3A_205] : memref<7x128x128xf32, #tpu.memory_space<vmem>> -> memref<1x128x128xf32, #tpu.memory_space<vmem>>
    %dma_start3A_207 = tpu.memref_squeeze %dma_start3A_206 : memref<1x128x128xf32, #tpu.memory_space<vmem>> -> memref<128x128xf32, #tpu.memory_space<vmem>>
    tpu.enqueue_dma source(%dma_start3A_207 : memref<128x128xf32, #tpu.memory_space<vmem>>) target(%dma_start3A_203 : memref<128x128xf32, #tpu.memory_space<hbm>>) target_semaphore(%arg18 : memref<!tpu.dma_semaphore, #tpu.memory_space<semaphore_mem>>)
    %add3A_208 = arith.constant 28 : i32
    %add3A_209 = arith.addi %mul3A_2, %add3A_208 : i32
    %mul3A_210 = arith.constant 128 : i32
    %mul3A_211 = arith.muli %add3A_209, %mul3A_210 : i32
    %dma_wait3A_212 = arith.constant 0 : i32
    %dma_wait3A_213 = arith.constant 0 : i32
    %dma_wait3A_214 = arith.constant 0 : i32
    %dma_wait3A_215 = tpu.memref_slice %arg7[%dma_wait3A_212, %dma_wait3A_213, %dma_wait3A_214] : memref<7x128x128xf32, #tpu.memory_space<vmem>> -> memref<1x128x128xf32, #tpu.memory_space<vmem>>
    %dma_wait3A_216 = tpu.memref_squeeze %dma_wait3A_215 : memref<1x128x128xf32, #tpu.memory_space<vmem>> -> memref<128x128xf32, #tpu.memory_space<vmem>>
    %dma_wait3A_217 = arith.constant 0 : i32
    %dma_wait3A_218 = tpu.memref_slice %arg4[%mul3A_211, %dma_wait3A_217] : memref<131072x128xf32, #tpu.memory_space<hbm>> -> memref<128x128xf32, #tpu.memory_space<hbm>>
    %dma_wait3A_219 = arith.constant 0 : i32
    %dma_wait3A_220 = tpu.memref_slice %arg4[%mul3A_211, %dma_wait3A_219] : memref<131072x128xf32, #tpu.memory_space<hbm>> -> memref<128x128xf32, #tpu.memory_space<hbm>>
    %dma_wait3A_221 = arith.constant 0 : i32
    %dma_wait3A_222 = arith.constant 0 : i32
    %dma_wait3A_223 = tpu.memref_slice %arg7[%dma_wait3A_212, %dma_wait3A_221, %dma_wait3A_222] : memref<7x128x128xf32, #tpu.memory_space<vmem>> -> memref<1x128x128xf32, #tpu.memory_space<vmem>>
    %dma_wait3A_224 = tpu.memref_squeeze %dma_wait3A_223 : memref<1x128x128xf32, #tpu.memory_space<vmem>> -> memref<128x128xf32, #tpu.memory_space<vmem>>
    tpu.wait_dma2 semaphore(%arg15 : memref<!tpu.dma_semaphore, #tpu.memory_space<semaphore_mem>>) src(%dma_wait3A_224 : memref<128x128xf32, #tpu.memory_space<vmem>>) dst(%dma_wait3A_220 : memref<128x128xf32, #tpu.memory_space<hbm>>)
    %add3A_225 = arith.constant 29 : i32
    %add3A_226 = arith.addi %mul3A_2, %add3A_225 : i32
    %mul3A_227 = arith.constant 128 : i32
    %mul3A_228 = arith.muli %add3A_226, %mul3A_227 : i32
    %dma_wait3A_229 = arith.constant 1 : i32
    %dma_wait3A_230 = arith.constant 0 : i32
    %dma_wait3A_231 = arith.constant 0 : i32
    %dma_wait3A_232 = tpu.memref_slice %arg7[%dma_wait3A_229, %dma_wait3A_230, %dma_wait3A_231] : memref<7x128x128xf32, #tpu.memory_space<vmem>> -> memref<1x128x128xf32, #tpu.memory_space<vmem>>
    %dma_wait3A_233 = tpu.memref_squeeze %dma_wait3A_232 : memref<1x128x128xf32, #tpu.memory_space<vmem>> -> memref<128x128xf32, #tpu.memory_space<vmem>>
    %dma_wait3A_234 = arith.constant 0 : i32
    %dma_wait3A_235 = tpu.memref_slice %arg4[%mul3A_228, %dma_wait3A_234] : memref<131072x128xf32, #tpu.memory_space<hbm>> -> memref<128x128xf32, #tpu.memory_space<hbm>>
    %dma_wait3A_236 = arith.constant 0 : i32
    %dma_wait3A_237 = tpu.memref_slice %arg4[%mul3A_228, %dma_wait3A_236] : memref<131072x128xf32, #tpu.memory_space<hbm>> -> memref<128x128xf32, #tpu.memory_space<hbm>>
    %dma_wait3A_238 = arith.constant 0 : i32
    %dma_wait3A_239 = arith.constant 0 : i32
    %dma_wait3A_240 = tpu.memref_slice %arg7[%dma_wait3A_229, %dma_wait3A_238, %dma_wait3A_239] : memref<7x128x128xf32, #tpu.memory_space<vmem>> -> memref<1x128x128xf32, #tpu.memory_space<vmem>>
    %dma_wait3A_241 = tpu.memref_squeeze %dma_wait3A_240 : memref<1x128x128xf32, #tpu.memory_space<vmem>> -> memref<128x128xf32, #tpu.memory_space<vmem>>
    tpu.wait_dma2 semaphore(%arg16 : memref<!tpu.dma_semaphore, #tpu.memory_space<semaphore_mem>>) src(%dma_wait3A_241 : memref<128x128xf32, #tpu.memory_space<vmem>>) dst(%dma_wait3A_237 : memref<128x128xf32, #tpu.memory_space<hbm>>)
    %add3A_242 = arith.constant 30 : i32
    %add3A_243 = arith.addi %mul3A_2, %add3A_242 : i32
    %mul3A_244 = arith.constant 128 : i32
    %mul3A_245 = arith.muli %add3A_243, %mul3A_244 : i32
    %dma_wait3A_246 = arith.constant 2 : i32
    %dma_wait3A_247 = arith.constant 0 : i32
    %dma_wait3A_248 = arith.constant 0 : i32
    %dma_wait3A_249 = tpu.memref_slice %arg7[%dma_wait3A_246, %dma_wait3A_247, %dma_wait3A_248] : memref<7x128x128xf32, #tpu.memory_space<vmem>> -> memref<1x128x128xf32, #tpu.memory_space<vmem>>
    %dma_wait3A_250 = tpu.memref_squeeze %dma_wait3A_249 : memref<1x128x128xf32, #tpu.memory_space<vmem>> -> memref<128x128xf32, #tpu.memory_space<vmem>>
    %dma_wait3A_251 = arith.constant 0 : i32
    %dma_wait3A_252 = tpu.memref_slice %arg4[%mul3A_245, %dma_wait3A_251] : memref<131072x128xf32, #tpu.memory_space<hbm>> -> memref<128x128xf32, #tpu.memory_space<hbm>>
    %dma_wait3A_253 = arith.constant 0 : i32
    %dma_wait3A_254 = tpu.memref_slice %arg4[%mul3A_245, %dma_wait3A_253] : memref<131072x128xf32, #tpu.memory_space<hbm>> -> memref<128x128xf32, #tpu.memory_space<hbm>>
    %dma_wait3A_255 = arith.constant 0 : i32
    %dma_wait3A_256 = arith.constant 0 : i32
    %dma_wait3A_257 = tpu.memref_slice %arg7[%dma_wait3A_246, %dma_wait3A_255, %dma_wait3A_256] : memref<7x128x128xf32, #tpu.memory_space<vmem>> -> memref<1x128x128xf32, #tpu.memory_space<vmem>>
    %dma_wait3A_258 = tpu.memref_squeeze %dma_wait3A_257 : memref<1x128x128xf32, #tpu.memory_space<vmem>> -> memref<128x128xf32, #tpu.memory_space<vmem>>
    tpu.wait_dma2 semaphore(%arg17 : memref<!tpu.dma_semaphore, #tpu.memory_space<semaphore_mem>>) src(%dma_wait3A_258 : memref<128x128xf32, #tpu.memory_space<vmem>>) dst(%dma_wait3A_254 : memref<128x128xf32, #tpu.memory_space<hbm>>)
    %add3A_259 = arith.constant 31 : i32
    %add3A_260 = arith.addi %mul3A_2, %add3A_259 : i32
    %mul3A_261 = arith.constant 128 : i32
    %mul3A_262 = arith.muli %add3A_260, %mul3A_261 : i32
    %dma_wait3A_263 = arith.constant 3 : i32
    %dma_wait3A_264 = arith.constant 0 : i32
    %dma_wait3A_265 = arith.constant 0 : i32
    %dma_wait3A_266 = tpu.memref_slice %arg7[%dma_wait3A_263, %dma_wait3A_264, %dma_wait3A_265] : memref<7x128x128xf32, #tpu.memory_space<vmem>> -> memref<1x128x128xf32, #tpu.memory_space<vmem>>
    %dma_wait3A_267 = tpu.memref_squeeze %dma_wait3A_266 : memref<1x128x128xf32, #tpu.memory_space<vmem>> -> memref<128x128xf32, #tpu.memory_space<vmem>>
    %dma_wait3A_268 = arith.constant 0 : i32
    %dma_wait3A_269 = tpu.memref_slice %arg4[%mul3A_262, %dma_wait3A_268] : memref<131072x128xf32, #tpu.memory_space<hbm>> -> memref<128x128xf32, #tpu.memory_space<hbm>>
    %dma_wait3A_270 = arith.constant 0 : i32
    %dma_wait3A_271 = tpu.memref_slice %arg4[%mul3A_262, %dma_wait3A_270] : memref<131072x128xf32, #tpu.memory_space<hbm>> -> memref<128x128xf32, #tpu.memory_space<hbm>>
    %dma_wait3A_272 = arith.constant 0 : i32
    %dma_wait3A_273 = arith.constant 0 : i32
    %dma_wait3A_274 = tpu.memref_slice %arg7[%dma_wait3A_263, %dma_wait3A_272, %dma_wait3A_273] : memref<7x128x128xf32, #tpu.memory_space<vmem>> -> memref<1x128x128xf32, #tpu.memory_space<vmem>>
    %dma_wait3A_275 = tpu.memref_squeeze %dma_wait3A_274 : memref<1x128x128xf32, #tpu.memory_space<vmem>> -> memref<128x128xf32, #tpu.memory_space<vmem>>
    tpu.wait_dma2 semaphore(%arg18 : memref<!tpu.dma_semaphore, #tpu.memory_space<semaphore_mem>>) src(%dma_wait3A_275 : memref<128x128xf32, #tpu.memory_space<vmem>>) dst(%dma_wait3A_271 : memref<128x128xf32, #tpu.memory_space<hbm>>)
    return
  }
}

module attributes {stable_mosaic.version = 14 : i64} {
  func.func @_table_body(%arg0: memref<87x128xf32, #tpu.memory_space<vmem>>, %arg1: memref<87x20xf32, #tpu.memory_space<vmem>>, %arg2: memref<20x128xf32, #tpu.memory_space<vmem>>, %arg3: memref<87x128xf32, #tpu.memory_space<vmem>>) attributes {dimension_semantics = [], scalar_prefetch = 0 : i64, scratch_operands = 0 : i64, tpu.core_type = #tpu.core_type<tc>} {
    %get3A = arith.constant 0 : index
    %get3A_0 = arith.constant 0 : index
    %get3A_1 = vector.load %arg0[%get3A, %get3A_0] : memref<87x128xf32, #tpu.memory_space<vmem>>, vector<87x128xf32>
    %get3A_2 = arith.constant 0 : index
    %get3A_3 = arith.constant 0 : index
    %get3A_4 = vector.load %arg1[%get3A_2, %get3A_3] : memref<87x20xf32, #tpu.memory_space<vmem>>, vector<87x20xf32>
    %get3A_5 = arith.constant 0 : index
    %get3A_6 = arith.constant 0 : index
    %get3A_7 = vector.load %arg2[%get3A_5, %get3A_6] : memref<20x128xf32, #tpu.memory_space<vmem>>, vector<20x128xf32>
    %dot_general3A = arith.constant dense<0.000000e+00> : vector<87x128xf32>
    %dot_general3A_8 = tpu.matmul %get3A_4, %get3A_7, %dot_general3A {dimension_numbers = #tpu.dot_dimension_numbers<[1], [0], [0], [1], [0, 0, 1, 1], [], []>, transpose_lhs_hint = false} : vector<87x20xf32>, vector<20x128xf32>, vector<87x128xf32> -> vector<87x128xf32>
    %add3A = arith.addf %get3A_1, %dot_general3A_8 : vector<87x128xf32>
    %swap3A = arith.constant 0 : index
    %swap3A_9 = arith.constant 0 : index
    %swap3A_10 = vector.load %arg3[%swap3A, %swap3A_9] : memref<87x128xf32, #tpu.memory_space<vmem>>, vector<87x128xf32>
    tpu.vector_store %arg3[%swap3A, %swap3A_9], %add3A {strides = array<i32>} : memref<87x128xf32, #tpu.memory_space<vmem>>, vector<87x128xf32>,
    return
  }
}

</mosaic_0001>

<sc_bundles>
// kernel: kernel.4.cloned.1.call-start
scs
__scs_entry_jumppad:
0x0: {  	(pc) =	sbr.rel $0x88, $3  }
0x1: {  	(tag) =	ssettag $0x0;
	lr =	simm.s32 $0x1  }
0x2: {  	[smem:$0x3F9D] =	sst lr;
	_ =	strace $0xD0000000  }
0x3: {  	_ = 	snop  }
0x4: {  	_ = 	snop  }
0x5: {  	_ = 	snop  }
0x6: {  	_ = 	snop  }
0x7: {  	_ = 	snop  }
__scs_overlays_trampoline_lowered:
0x8: {  	[smem:$0x3FAC] =	sst s0  }
0x9: {  	[smem:$0x3FAD] =	sst s1  }
0xa: {  	[smem:$0x3FAE] =	sst s2  }
0xb: {  	[smem:$0x3FAF] =	sst s3  }
0xc: {  	[smem:$0x3FB0] =	sst s4  }
0xd: {  	[smem:$0x3FB1] =	sst s5  }
0xe: {  	[smem:$0x3FB2] =	sst s6  }
0xf: {  	[smem:$0x3FB3] =	sst s7  }
0x10: {  	[smem:$0x3FB4] =	sst s8  }
0x11: {  	[smem:$0x3FB5] =	sst s9;
	s0 =	simm.s32 @!p0 $0x0  }
0x12: {  	s1 =	sld [smem:$0x3F9B];
	s0 =	simm.s32 @p0 $0x1  }
0x13: {  	[smem:$0x3FB6] =	sst s0;
	s0 =	simm.s32 @!p1 $0x0  }
0x14: {  	s2 =	sld [smem:$0x3F9A];
	s0 =	simm.s32 @p1 $0x1  }
0x15: {  	[smem:$0x3FB7] =	sst s0;
	s0 =	simm.s32 @!p2 $0x0  }
0x16: {  	s3 =	sld [smem:$0x3FDB];
	s0 =	simm.s32 @p2 $0x1  }
0x17: {  	s4 =	simm.s32 $0x1BF5;
	[smem:$0x3FB9] =	sst s0  }
0x18: {  	s0 =	sld [smem:$0x3F9C];
	_ =	swait.ge [sflag:s4], $0x0  }
0x19: {  	s7 =	sld [smem:$0x3F9D]  }
0x1a: {  	s8 =	sadd.s32 $0xFFFFE003, lr  }
0x1b: {  	s9 =	sadd.s32 $0xFFFFFEF7, lr;
	s5 =	simm.s32 $0xFFFFFFFF;
	p2 =	slt.u32 s8, $0xFFFFF086  }
0x1c: {  	p1 =	slt.u32 s9, $0xF7A;
	s5 =	simm.s32 @!p2 $0x0  }
0x1d: {  	s5 =	simm.s32 @p1 $0x1;
	p0 =	seq.s32 s7, s2  }
0x1e: {  	s7 =	smul.u32 @!p0 $0xF7A, s2;
	p2 =	seq.s32 @!p0 s5, $0x0  }
0x1f: {  	s9 =	smul.u32 $0xF7A, s1;
	s8 =	simm.s32 @!p0 $0x1BF5;
	p2 =	por !p2, p0  }
0x20: {  	[sflag:s8] =	ssyncset.s32 @!p0 $0xFFFFF086;
	s6 =	sadd.s32 @!p0 s3, s7;
	s7 =	simm.s32 @!p0 $0x108  }
0x21: {  	s3 =	sadd.s32 s3, s9;
	s6 =	sadd.s32 @!p0 $0x88, s6;
	s7 =	simm.s32 @p2 $0x1082  }
0x22: {  	[simem:s7], [sflag:s8] =	dma.local @!p0 [hbm:s6], $0xF7A  }
0x23: {  	s9 =	sor.u32 $0xD0000000, s2;
	s6 =	simm.s32 $0x108;
	_ =	swait.ge @!p0 [sflag:s8], $0x0  }
0x24: {  	s3 =	sadd.s32 $0x88, s3;
	s6 =	simm.s32 @!p1 $0x1082;
	[sflag:s4] =	ssyncset.s32 $0xFFFFF086  }
0x25: {  	[simem:s6], [sflag:s4] =	dma.local [hbm:s3], $0xF7A  }
0x26: {  	[smem:$0x3F9D] =	sst s1;
	(tag) =	ssettag s2;
	_ =	strace s9  }
0x27: {  	s1 =	sld [smem:$0x3FAD]  }
0x28: {  	s2 =	sld [smem:$0x3FAE]  }
0x29: {  	s4 =	sld [smem:$0x3FB0]  }
0x2a: {  	p0 =	seq.s32 s5, $0x0;
	s5 =	sld [smem:$0x3FB1]  }
0x2b: {  	s6 =	sld [smem:$0x3FB2]  }
0x2c: {  	s7 =	sld [smem:$0x3FB3]  }
0x2d: {  	s3 =	simm.s32 $0x108;
	s8 =	sld [smem:$0x3FB4]  }
0x2e: {  	s3 =	simm.s32 @!p0 $0x1082;
	s9 =	sld [smem:$0x3FB5]  }
0x2f: {  	lr =	sadd.s32 s0, s3;
	s0 =	sld [smem:$0x3FAC]  }
0x30: {  	s3 =	sld [smem:$0x3FAF]  }
0x31: {  	[smem:$0x3FB8] =	sst s10  }
0x32: {  	s10 =	sld [smem:$0x3FB6];
	_ =	sdelay $0x3  }
0x33: {  	p0 =	seq.s32 s10, $0x1;
	s10 =	sld [smem:$0x3FB8];
	_ =	sdelay $0x3  }
0x34: {  	[smem:$0x3FB8] =	sst s10  }
0x35: {  	s10 =	sld [smem:$0x3FB7];
	_ =	sdelay $0x3  }
0x36: {  	p1 =	seq.s32 s10, $0x1;
	s10 =	sld [smem:$0x3FB8];
	_ =	sdelay $0x3  }
0x37: {  	[smem:$0x3FB8] =	sst s10  }
0x38: {  	s10 =	sld [smem:$0x3FB9]  }
0x39: {  	_ = 	snop;
	(pc) =	sbr.ind lr, $3  }
0x3a: {  	_ = 	snop  }
0x3b: {  	_ = 	snop  }
0x3c: {  	p2 =	seq.s32 s10, $0x1;
	s10 =	sld [smem:$0x3FB8]  }
0x3d: {  	_ =	shalt  }
0x3e: {  	_ =	shalt  }
0x3f: {  	_ =	shalt  }
0x40: {  	_ =	shalt  }
0x41: {  	_ =	shalt  }
0x42: {  	_ =	shalt  }
0x43: {  	_ =	shalt  }
0x44: {  	_ =	shalt  }
0x45: {  	_ =	shalt  }
0x46: {  	_ =	shalt  }
0x47: {  	_ =	shalt  }
0x48: {  	_ =	shalt  }
0x49: {  	_ =	shalt  }
0x4a: {  	_ =	shalt  }
0x4b: {  	_ =	shalt  }
0x4c: {  	_ =	shalt  }
0x4d: {  	_ =	shalt  }
0x4e: {  	_ =	shalt  }
0x4f: {  	_ =	shalt  }
0x50: {  	_ =	shalt  }
0x51: {  	_ =	shalt  }
0x52: {  	_ =	shalt  }
0x53: {  	_ =	shalt  }
0x54: {  	_ =	shalt  }
0x55: {  	_ =	shalt  }
0x56: {  	_ =	shalt  }
0x57: {  	_ =	shalt  }
0x58: {  	_ =	shalt  }
0x59: {  	_ =	shalt  }
0x5a: {  	_ =	shalt  }
0x5b: {  	_ =	shalt  }
0x5c: {  	_ =	shalt  }
0x5d: {  	_ =	shalt  }
0x5e: {  	_ =	shalt  }
0x5f: {  	_ =	shalt  }
0x60: {  	_ =	shalt  }
0x61: {  	_ =	shalt  }
0x62: {  	_ =	shalt  }
0x63: {  	_ =	shalt  }
0x64: {  	_ =	shalt  }
0x65: {  	_ =	shalt  }
0x66: {  	_ =	shalt  }
0x67: {  	_ =	shalt  }
0x68: {  	_ =	shalt  }
0x69: {  	_ =	shalt  }
0x6a: {  	_ =	shalt  }
0x6b: {  	_ =	shalt  }
0x6c: {  	_ =	shalt  }
0x6d: {  	_ =	shalt  }
0x6e: {  	_ =	shalt  }
0x6f: {  	_ =	shalt  }
0x70: {  	_ =	shalt  }
0x71: {  	_ =	shalt  }
0x72: {  	_ =	shalt  }
0x73: {  	_ =	shalt  }
0x74: {  	_ =	shalt  }
0x75: {  	_ =	shalt  }
0x76: {  	_ =	shalt  }
0x77: {  	_ =	shalt  }
0x78: {  	_ =	shalt  }
0x79: {  	_ =	shalt  }
0x7a: {  	_ =	shalt  }
0x7b: {  	_ =	shalt  }
0x7c: {  	_ =	shalt  }
0x7d: {  	_ =	shalt  }
0x7e: {  	_ =	shalt  }
0x7f: {  	_ =	shalt  }
0x80: {  	_ =	shalt  }
0x81: {  	_ =	shalt  }
0x82: {  	_ =	shalt  }
0x83: {  	_ =	shalt  }
0x84: {  	_ =	shalt  }
0x85: {  	_ =	shalt  }
0x86: {  	_ =	shalt  }
0x87: {  	_ =	shalt  }
.Lfunc_end0:
.L_simem_size_0:
called_computation_lowered:
.L_overlay_start_0:
0x88: {  	s2 =	sld [smem:$0x3FD9]  }
0x89: {  	s3 =	sld [smem:$0x3FFE];
	_ =	sdelay $0x1  }
0x8a: {  	s1 =	srdreg.scid  }
0x8b: {  	s0 =	sand.u32 $0x1, s1  }
0x8c: {  	s17 =	sshll.u32 s0, $0xA;
	s2 =	sadd.s32 s3, s2  }
0x8d: {  	s2 =	sadd.s32 s2, s17  }
0x8e: {  	[smem:$0x3FC4] =	sst s2  }
0x8f: {  	_ = 	snop  }
0x90: {  	s2 =	sld [smem:$0x3FC9]  }
0x91: {  	s18 =	sld [smem:$0x3FD0];
	(tm) =	ssettm $0x1  }
0x92: {  	s4 =	sld [smem:$0x3FFB];
	_ =	sdelay $0x3  }
0x93: {  	_ =	strace s4  }
0x94: {  	s4 =	sld [smem:$0x3FFC];
	_ =	sdelay $0x3  }
0x95: {  	_ =	strace s4  }
0x96: {  	s4 =	sld [smem:$0x3FFD];
	_ =	sdelay $0x3  }
0x97: {  	_ =	strace s4  }
0x98: {  	_ =	strace $0x8FFFFFFF  }
0x99: {  	s19 =	sld [smem:$0x3FDB];
	_ =	sdelay $0x1  }
0x9a: {  	s5 =	simm.s32 $_scs_section_size  }
0x9b: {  	s6 =	simm.s32 $_size__tile_overlayer_lowered;
	s7 =	simm.s32 $_tile_overlayer_lowered  }
0x9c: {  	s22 =	simm.s32 $0x1BFF;
	s21 =	sshll.u32 s7, $0x1;
	s4 =	sadd.s32 s5, s19  }
0x9d: {  	s8 =	simm.s32 $0x0;
	s20 =	sshll.u32 s6, $0x1;
	s6 =	sadd.s32 s21, s4  }
0x9e: {  	[timem:s8], [sflag:s22] =	dma.local [hbm:s6], s20  }
0x9f: {  	_ =	swait.ge [sflag:s22], s20  }
0xa0: {  	s5 =	ssub.s32 $0x0, s20;
	[sflag:s22] =	ssyncset.done $0x0  }
0xa1: {  	[sflag:s22] =	ssyncadd.s32 s5;
	_ =	sdelay $0x1  }
0xa2: {  	s23 =	simm.s32 $0x1B8B  }
0xa3: {  	_ =	swait.ge [sflag:s23], $0x1  }
0xa4: {  	[sflag:s23] =	ssyncset.done $0x0  }
0xa5: {  	s25 =	simm.s32 $0x1B8E;
	s24 =	sld [smem:$0x3FFE];
	[sflag:s23] =	ssyncadd.s32 $0xFFFFFFFF  }
0xa6: {  	s26 =	simm.s32 $execute0_lowered;
	[smem:$0x3FD2] =	sst s25  }
0xa7: {  	s6 =	sshll.u32 s26, $0x1;
	_ =	strace $0x80000046;
	[dreg:$0x1] =	wrdreg $0xFFFFFFFF  }
0xa8: {  	s28 =	simm.s32 $_size_execute0_lowered;
	s4 =	sadd.s32 s4, s6;
	[dreg:$0x0] =	wrdreg $0x0  }
0xa9: {  	s6 =	sshll.u32 s28, $0x1;
	[dreg:$0x2] =	wrdreg s4  }
0xaa: {  	[dreg:$0x3] =	wrdreg s6  }
0xab: {  	[dreg:$0x4] =	wrdreg $0xC0  }
0xac: {  	_ =	task [dreg:s8], $0x5FFFF  }
0xad: {  	[dreg:$0x1] =	wrdreg $0xFFFFFFFF  }
0xae: {  	[dreg:$0x0] =	wrdreg $0x60  }
0xaf: {  	[dreg:$0x2] =	wrdreg s24  }
0xb0: {  	[dreg:$0x3] =	wrdreg s2  }
0xb1: {  	[dreg:$0x4] =	wrdreg s18  }
0xb2: {  	[dreg:$0x5] =	wrdreg $0x10000  }
0xb3: {  	[dreg:$0x6] =	wrdreg $0x9  }
0xb4: {  	_ =	task.clear_ibuf [dreg:s8], $0x7FFFF;
	_ =	strace $0x90000046  }
0xb5: {  	s29 =	simm.s32 $0x9;
	_ =	strace $0x80000048  }
0xb6: {  	_ =	swait.ge [sflag:s29], $0x1  }
0xb7: {  	[sflag:s29] =	ssyncadd.s32 $0xFFFFFFFF  }
0xb8: {  	_ =	strace $0x90000048  }
0xb9: {  	_ =	sfence  }
0xba: {  	s30 =	sld [smem:$0x0];
	_ =	sdelay $0x2  }
0xbb: {  	s31 =	sshll.u32 s1, $0xD;
	s1 =	sshrl.u32 s1, $0x2  }
0xbc: {  	s3 =	sand.u32 $0x4000, s31;
	s1 =	sadd.s32 s1, s30  }
0xbd: {  	s0 =	sor.u32 s3, s0;
	s1 =	sshll.u32 s1, $0x11  }
0xbe: {  	s0 =	sor.u32 s1, s0  }
0xbf: {  	s0 =	sadd.s32 $0x8F2B, s0  }
0xc0: {  	[sflag:s0] =	ssyncadd.remote.s32 $0x1  }
0xc1: {  	_ =	sfence.sel $0xFFFF  }
0xc2: {  	[dreg:$0x0] =	wrdreg $0xFFFFFFFF;
	(pc) =	sbr.abs _section_cstart, $3  }
0xc3: {  	[dreg:$0x1] =	wrdreg $0xFFFFFFFF  }
0xc4: {  	_ =	task.clear_ibuf [dreg:s8], $0x2FFFF;
	_ =	strace $0x9FFFFFFF  }
0xc5: {  	(tm) =	ssettm $0x7FFFFFFF  }
tec
execute0_lowered:
.L_overlay_start_1:
0x0: {  	(tag) =	ssettag $0x1  }
0x1: {  	s0 =	rddreg [dreg:$0x0]  }
0x2: {  	s3 =	rddreg [dreg:$0x1]  }
0x3: {  	s4 =	rddreg [dreg:$0x2]  }
0x4: {  	s1 =	rddreg [dreg:$0x3];
	s5 =	srdreg.scid  }
0x5: {  	s2 =	simm.s32 $0x0;
	s6 =	stileid.u32;
	s12 =	simm.s32 $0xF  }
0x6: {  	s13 =	simm.s32 $0x80;
	s14 =	simm.s32 $0x12B8;
	s15 =	simm.s32 $0x52B8  }
0x7: {  	s17 =	simm.s32 $0x92B8;
	s19 =	simm.s32 $0xD2B8;
	s28 =	simm.s32 $0x2  }
0x8: {  	s29 =	simm.s32 $0x3;
	s30 =	simm.s32 $0x4;
	s31 =	simm.s32 $0x5  }
0x9: {  	s16 =	simm.s32 $0x7;
	s18 =	simm.s32 $0x8;
	s5 =	sand.u32 $0x1, s5  }
0xa: {  	[smem:$0x7FF] =	sst s2;
	s7 =	sshll.u32 s6, $0x6;
	s0 =	sadd.s32 $0xA00, s0  }
0xb: {  	s24 =	sshll.u32 s6, $0x11;
	p0 =	sne.s32 s6, $0x0;
	s6 =	simm.s32 $0x0  }
0xc: {  	s8 =	sshll.u32 s5, $0x5;
	_ =	strace $0x80000047;
	[dreg:$0x5] =	wrdreg s0  }
0xd: {  	s20 =	ssub.s32 $0x2, s5;
	s26 =	sshll.u32 s5, $0x10;
	s7 =	sor.u32 s8, s7  }
0xe: {  	s9 =	sshrl.u32 s20, $0x1;
	s8 =	sshll.u32 s7, $0xB;
	s7 =	sshll.u32 s7, $0x4  }
0xf: {  	s5 =	simm.s32 $0xE;
	s0 =	ssub.s32 s20, s9;
	s3 =	sadd.s32 s3, s7  }
0x10: {  	s8 =	sadd.s32 s8, s4;
	s0 =	smax.u32 s0, $0x1;
	[dreg:$0x6] =	wrdreg s3  }
0x11: {  	s20 =	simm.s32 $0x9;
	s21 =	sadd.s32 $0xE000, s8;
	[dreg:$0xb] =	wrdreg s0  }
0x12: {  	s22 =	sadd.s32 $0xE800, s8;
	s23 =	sadd.s32 $0xF000, s8;
	[dreg:$0x7] =	wrdreg s21  }
0x13: {  	s25 =	sadd.s32 $0xF800, s8;
	s3 =	sadd.s32 s24, s4;
	[dreg:$0x8] =	wrdreg s22  }
.Ltmp0:
0x14: {  	s0 =	sshrl.u32 @!p0 s1, $0x3;
	[dreg:$0x9] =	wrdreg s23;
	(pc) =	sbr.rel .LBB2_1-.Ltmp0, $4  }
0x15: {  	s24 =	simm.s32 $0xB;
	s4 =	simm.s32 $0xD;
	[dreg:$0xa] =	wrdreg s25  }
0x16: {  	s10 =	sadd.s32 s26, s3;
	[dreg:$0xc] =	wrdreg s0;
	s21 =	simm.s32 $0x112B8  }
0x17: {  	s23 =	simm.s32 $0x152B8;
	s25 =	simm.s32 $0x192B8;
	s26 =	simm.s32 $0x1  }
0x18: {  	s0 =	simm.s32 $0x6;
	s22 =	simm.s32 $0xA;
	s3 =	simm.s32 $0xC  }
.LBB2_4:
0x19: {  	_ =	swait.ge [sflag:s4], $0x4000  }
0x1a: {  	[sflag:s4] =	ssyncset.done $0x0  }
0x1b: {  	[sflag:s4] =	ssyncadd.s32 $0xFFFFC000  }
0x1c: {  	_ =	swait.ge [sflag:s5], $0x4000  }
0x1d: {  	[sflag:s5] =	ssyncset.done $0x0  }
0x1e: {  	[sflag:s5] =	ssyncadd.s32 $0xFFFFC000  }
0x1f: {  	_ =	swait.ge [sflag:s26], $0x4000  }
0x20: {  	[sflag:s26] =	ssyncset.done $0x0  }
0x21: {  	s7 =	rddreg [dreg:$0x7];
	[sflag:s26] =	ssyncadd.s32 $0xFFFFC000  }
0x22: {  	[hbm4b:s7+s2] =	stream.linear.scatter [tilespmem:s14], [sflag:$0x8], $0x4000, $0x38;
	[tilespmem:$0x1D2B8] =	vst v63  }
0x23: {  	_ =	swait.ge [sflag:s28], $0x4000  }
0x24: {  	[sflag:s28] =	ssyncset.done $0x0  }
0x25: {  	s11 =	rddreg [dreg:$0x8];
	[sflag:s28] =	ssyncadd.s32 $0xFFFFC000  }
0x26: {  	[hbm4b:s11+s2] =	stream.linear.scatter [tilespmem:s15], [sflag:$0x9], $0x4000, $0x38;
	[tilespmem:$0x1D2B8] =	vst v63  }
0x27: {  	_ =	swait.ge [sflag:s29], $0x4000  }
0x28: {  	[sflag:s29] =	ssyncset.done $0x0  }
0x29: {  	s8 =	rddreg [dreg:$0x9];
	[sflag:s29] =	ssyncadd.s32 $0xFFFFC000  }
0x2a: {  	[hbm4b:s8+s2] =	stream.linear.scatter [tilespmem:s17], [sflag:$0xA], $0x4000, $0x38;
	[tilespmem:$0x1D2B8] =	vst v63  }
0x2b: {  	_ =	swait.ge [sflag:s30], $0x4000  }
0x2c: {  	[sflag:s30] =	ssyncset.done $0x0  }
0x2d: {  	s9 =	rddreg [dreg:$0xa];
	[sflag:s30] =	ssyncadd.s32 $0xFFFFC000  }
0x2e: {  	[hbm4b:s9+s2] =	stream.linear.scatter [tilespmem:s19], [sflag:$0xB], $0x4000, $0x38;
	[tilespmem:$0x1D2B8] =	vst v63  }
0x2f: {  	_ =	swait.ge [sflag:s18], $0x4000  }
0x30: {  	[sflag:s18] =	ssyncset.done $0x0  }
0x31: {  	[sflag:s18] =	ssyncadd.s32 $0xFFFFC000  }
0x32: {  	_ =	swait.ge [sflag:s20], $0x4000  }
0x33: {  	[sflag:s20] =	ssyncset.done $0x0  }
0x34: {  	[sflag:s20] =	ssyncadd.s32 $0xFFFFC000  }
0x35: {  	_ =	swait.ge [sflag:s22], $0x4000  }
0x36: {  	[sflag:s22] =	ssyncset.done $0x0  }
0x37: {  	[sflag:s22] =	ssyncadd.s32 $0xFFFFC000  }
0x38: {  	_ =	swait.ge [sflag:s24], $0x4000  }
0x39: {  	s6 =	sadd.s32 $0x1, s6;
	s11 =	rddreg [dreg:$0xb]  }
0x3a: {  	p1 =	sne.s32 s6, s11  }
.Ltmp1:
0x3b: {  	_ = 	snop;
	(pc) =	sbr.rel @!p1 .LBB2_5-.Ltmp1, $3  }
0x3c: {  	_ =	sdelay $0x1  }
0x3d: {  	[sflag:s24] =	ssyncset.done $0x0  }
0x3e: {  	[sflag:s24] =	ssyncadd.s32 $0xFFFFC000  }
.LBB2_1:
0x3f: {  	s8 =	rddreg [dreg:$0x5]  }
0x40: {  	s7 =	simm.s32 @!p0 $0x1C0F;
	s9 =	rddreg [dreg:$0xc]  }
0x41: {  	[spmem:s9], [sflag:s7] =	dma.local @!p0 [hbm:s8], $0x570  }
0x42: {  	s7 =	simm.s32 @!p0 $0xF  }
0x43: {  	_ =	swait.ge @!p0 [sflag:s7], $0x570  }
0x44: {  	[sflag:s7] =	ssyncset.done @!p0 $0x0  }
0x45: {  	s8 =	rddreg [dreg:$0x6];
	[sflag:s7] =	ssyncadd.s32 @!p0 $0xFFFFFA90  }
0x46: {  	[tilespmem:s2], [sflag:$0xF] =	stream.linear.gather [hbm4b:s8+s2], $0x1000, $0x38;
	[tilespmem:$0x1D2B8] =	vst v63  }
0x47: {  	_ =	swait.ge [sflag:s12], $0x1000  }
0x48: {  	[sflag:s12] =	ssyncset.done $0x0  }
0x49: {  	[sflag:s12] =	ssyncadd.s32 $0xFFFFF000  }
0x4a: {  	[bflag:$0x0] =	sbarrier.arrive $0xFFFF  }
0x4b: {  	[tilespmem:s14], [sflag:$0x1] =	stream.indirect.gather [spmem:s1], $0x80, s2, s13, $0xb8;
	[tilespmem:$0x1D2B8] =	vst v63  }
0x4c: {  	_ = 	snop  }
0x4d: {  	[tilespmem:s15], [sflag:$0x2] =	stream.indirect.gather [spmem:s1], $0x80, s13, s13, $0xb8;
	[tilespmem:$0x1D2B8] =	vst v63  }
0x4e: {  	s9 =	simm.s32 $0x100  }
0x4f: {  	[tilespmem:s17], [sflag:$0x3] =	stream.indirect.gather [spmem:s1], $0x80, s9, s13, $0xb8;
	[tilespmem:$0x1D2B8] =	vst v63  }
0x50: {  	s11 =	simm.s32 $0x180  }
0x51: {  	[tilespmem:s19], [sflag:$0x4] =	stream.indirect.gather [spmem:s1], $0x80, s11, s13, $0xb8;
	[tilespmem:$0x1D2B8] =	vst v63  }
0x52: {  	s8 =	simm.s32 $0x200  }
0x53: {  	[tilespmem:s21], [sflag:$0x5] =	stream.indirect.gather [spmem:s1], $0x80, s8, s13, $0xb8;
	[tilespmem:$0x1D2B8] =	vst v63  }
0x54: {  	s9 =	simm.s32 $0x280  }
0x55: {  	[tilespmem:s23], [sflag:$0x6] =	stream.indirect.gather [spmem:s1], $0x80, s9, s13, $0xb8;
	[tilespmem:$0x1D2B8] =	vst v63  }
0x56: {  	s7 =	simm.s32 $0x680;
	s11 =	simm.s32 $0x300;
	s8 =	simm.s32 $0x0  }
0x57: {  	[tilespmem:s25], [sflag:$0x7] =	stream.indirect.gather [spmem:s1], $0x80, s11, s13, $0xb8;
	[tilespmem:$0x1D2B8] =	vst v63  }
.LBB2_2:
0x58: {  	_ =	swait.ge [sflag:s26], $0x4000  }
0x59: {  	[sflag:s26] =	ssyncset.done $0x0  }
0x5a: {  	s9 =	sadd.s32 s8, s10;
	[sflag:s26] =	ssyncadd.s32 $0xFFFFC000  }
0x5b: {  	[hbm4b:s9+s2] =	stream.linear.scatter [tilespmem:s14], [sflag:$0x8], $0x4000, $0x38;
	[tilespmem:$0x1D2B8] =	vst v63  }
0x5c: {  	_ =	swait.ge [sflag:s28], $0x4000  }
0x5d: {  	[sflag:s28] =	ssyncset.done $0x0  }
0x5e: {  	s11 =	sadd.s32 $0x800, s9;
	[sflag:s28] =	ssyncadd.s32 $0xFFFFC000  }
0x5f: {  	[hbm4b:s11+s2] =	stream.linear.scatter [tilespmem:s15], [sflag:$0x9], $0x4000, $0x38;
	[tilespmem:$0x1D2B8] =	vst v63  }
0x60: {  	_ =	swait.ge [sflag:s29], $0x4000  }
0x61: {  	[sflag:s29] =	ssyncset.done $0x0  }
0x62: {  	s11 =	sadd.s32 $0x1000, s9;
	[sflag:s29] =	ssyncadd.s32 $0xFFFFC000  }
0x63: {  	[hbm4b:s11+s2] =	stream.linear.scatter [tilespmem:s17], [sflag:$0xA], $0x4000, $0x38;
	[tilespmem:$0x1D2B8] =	vst v63  }
0x64: {  	_ =	swait.ge [sflag:s30], $0x4000  }
0x65: {  	[sflag:s30] =	ssyncset.done $0x0  }
0x66: {  	s11 =	sadd.s32 $0x1800, s9;
	[sflag:s30] =	ssyncadd.s32 $0xFFFFC000  }
0x67: {  	[hbm4b:s11+s2] =	stream.linear.scatter [tilespmem:s19], [sflag:$0xB], $0x4000, $0x38;
	[tilespmem:$0x1D2B8] =	vst v63  }
0x68: {  	_ =	swait.ge [sflag:s31], $0x4000  }
0x69: {  	[sflag:s31] =	ssyncset.done $0x0  }
0x6a: {  	s11 =	sadd.s32 $0x2000, s9;
	[sflag:s31] =	ssyncadd.s32 $0xFFFFC000  }
0x6b: {  	[hbm4b:s11+s2] =	stream.linear.scatter [tilespmem:s21], [sflag:$0xC], $0x4000, $0x38;
	[tilespmem:$0x1D2B8] =	vst v63  }
0x6c: {  	_ =	swait.ge [sflag:s0], $0x4000  }
0x6d: {  	[sflag:s0] =	ssyncset.done $0x0  }
0x6e: {  	s11 =	sadd.s32 $0x2800, s9;
	[sflag:s0] =	ssyncadd.s32 $0xFFFFC000  }
0x6f: {  	[hbm4b:s11+s2] =	stream.linear.scatter [tilespmem:s23], [sflag:$0xD], $0x4000, $0x38;
	[tilespmem:$0x1D2B8] =	vst v63  }
0x70: {  	_ =	swait.ge [sflag:s16], $0x4000  }
0x71: {  	[sflag:s16] =	ssyncset.done $0x0  }
0x72: {  	s9 =	sadd.s32 $0x3000, s9;
	[sflag:s16] =	ssyncadd.s32 $0xFFFFC000  }
0x73: {  	[hbm4b:s9+s2] =	stream.linear.scatter [tilespmem:s25], [sflag:$0xE], $0x4000, $0x38;
	[tilespmem:$0x1D2B8] =	vst v63  }
0x74: {  	_ =	swait.ge [sflag:s18], $0x4000  }
0x75: {  	[sflag:s18] =	ssyncset.done $0x0  }
0x76: {  	s11 =	sadd.s32 $0xFFFFFD00, s7;
	[sflag:s18] =	ssyncadd.s32 $0xFFFFC000  }
0x77: {  	[tilespmem:s14], [sflag:$0x1] =	stream.indirect.gather [spmem:s1], $0x80, s11, s13, $0xb8;
	[tilespmem:$0x1D2B8] =	vst v63  }
0x78: {  	_ =	swait.ge [sflag:s20], $0x4000  }
0x79: {  	[sflag:s20] =	ssyncset.done $0x0  }
0x7a: {  	s11 =	sadd.s32 $0xFFFFFD80, s7;
	[sflag:s20] =	ssyncadd.s32 $0xFFFFC000  }
0x7b: {  	[tilespmem:s15], [sflag:$0x2] =	stream.indirect.gather [spmem:s1], $0x80, s11, s13, $0xb8;
	[tilespmem:$0x1D2B8] =	vst v63  }
0x7c: {  	_ =	swait.ge [sflag:s22], $0x4000  }
0x7d: {  	[sflag:s22] =	ssyncset.done $0x0  }
0x7e: {  	s11 =	sadd.s32 $0xFFFFFE00, s7;
	[sflag:s22] =	ssyncadd.s32 $0xFFFFC000  }
0x7f: {  	[tilespmem:s17], [sflag:$0x3] =	stream.indirect.gather [spmem:s1], $0x80, s11, s13, $0xb8;
	[tilespmem:$0x1D2B8] =	vst v63  }
0x80: {  	_ =	swait.ge [sflag:s24], $0x4000  }
0x81: {  	p1 =	seq.s32 s8, $0xA800;
	[sflag:s24] =	ssyncset.done $0x0  }
.Ltmp2:
0x82: {  	s11 =	sadd.s32 $0xFFFFFE80, s7;
	[sflag:s24] =	ssyncadd.s32 $0xFFFFC000;
	(pc) =	sbr.rel @p1 .LBB2_4-.Ltmp2, $4  }
0x83: {  	[tilespmem:s19], [sflag:$0x4] =	stream.indirect.gather [spmem:s1], $0x80, s11, s13, $0xb8;
	[tilespmem:$0x1D2B8] =	vst v63  }
0x84: {  	_ =	swait.ge [sflag:s3], $0x4000  }
0x85: {  	[sflag:s3] =	ssyncset.done $0x0  }
0x86: {  	[sflag:s3] =	ssyncadd.s32 $0xFFFFC000  }
0x87: {  	s9 =	sadd.s32 $0xFFFFFF00, s7  }
0x88: {  	[tilespmem:s21], [sflag:$0x5] =	stream.indirect.gather [spmem:s1], $0x80, s9, s13, $0xb8;
	[tilespmem:$0x1D2B8] =	vst v63  }
0x89: {  	_ =	swait.ge [sflag:s4], $0x4000  }
0x8a: {  	[sflag:s4] =	ssyncset.done $0x0  }
0x8b: {  	s11 =	sadd.s32 $0xFFFFFF80, s7;
	[sflag:s4] =	ssyncadd.s32 $0xFFFFC000  }
0x8c: {  	[tilespmem:s23], [sflag:$0x6] =	stream.indirect.gather [spmem:s1], $0x80, s11, s13, $0xb8;
	[tilespmem:$0x1D2B8] =	vst v63  }
.Ltmp3:
0x8d: {  	_ =	swait.ge [sflag:s5], $0x4000;
	(pc) =	sbr.rel .LBB2_2-.Ltmp3, $4  }
0x8e: {  	[sflag:s5] =	ssyncset.done $0x0  }
0x8f: {  	[sflag:s5] =	ssyncadd.s32 $0xFFFFC000  }
0x90: {  	[tilespmem:s25], [sflag:$0x7] =	stream.indirect.gather [spmem:s1], $0x80, s7, s13, $0xb8;
	[tilespmem:$0x1D2B8] =	vst v63  }
0x91: {  	s8 =	sadd.s32 $0x3800, s8;
	s7 =	sadd.s32 $0x380, s7  }
.LBB2_5:
0x92: {  	_ =	sfence.sel $0x180000  }
0x93: {  	[bflag:$0x0] =	sbarrier.arrive $0xFFFF  }
0x94: {  	_ =	strace $0x90000047  }
0x95: {  	[bflag:$0x2] =	sbarrier.arrive $0xFFFF  }
0x96: {  	s0 =	rddreg [dreg:$0x4]  }
0x97: {  	s0 =	sadd.s32 @!p0 $0x100000, s0  }
0x98: {  	[sflag:s0] =	ssyncadd.tile.s32 @!p0 $0x1;
	_ =	shalt  }
.Lfunc_end2:
_tile_overlayer_lowered:
.L_overlay_start_2:
0x99: {  	(tag) =	ssettag $0x2  }
0x9a: {  	s0 =	rddreg [dreg:$0x0];
	s2 =	stileid.u32  }
0x9b: {  	s1 =	rddreg [dreg:$0x1];
	p0 =	sne.s32 s2, $0x0  }
0x9c: {  	s3 =	rddreg [dreg:$0x2];
	[bflag:$0x3] =	sbarrier.arrive $0xFFFF;
	s2 =	simm.s32 @!p0 $0x1C0F  }
0x9d: {  	[timem:s3], [sflag:s2] =	dma.local @!p0 [hbm:s0], s1  }
0x9e: {  	s0 =	simm.s32 @!p0 $0xF  }
0x9f: {  	_ =	swait.ge @!p0 [sflag:s0], s1  }
0xa0: {  	s1 =	ssub.s32 @!p0 $0x0, s1;
	[sflag:s0] =	ssyncset.done @!p0 $0x0  }
0xa1: {  	[sflag:s0] =	ssyncadd.s32 @!p0 s1  }
0xa2: {  	[bflag:$0x3] =	sbarrier.arrive $0xFFFF  }
0xa3: {  	_ =	shalt  }

</sc_bundles>
